<compile_context>
chip_gen: v7x
topology: tpu7x:2x2x1
jax: 0.10.2.dev20260603
libtpu: 0.0.44.dev20260713+nightly
codegen_flags: <defaults>
</compile_context>

<pallas_src>
import functools

import jax
import jax.numpy as jnp
from jax import lax
from jax.experimental import pallas as pl
from jax.experimental.pallas import tpu as pltpu
from jax.experimental.pallas import tpu_sc as plsc

_B = 16
_N = 2048
_HALF = _N // 2
_PTSW = _HALF * 3
_ITERS = _HALF // 16


def _sc_partials(planes, coef):
    mesh = plsc.VectorSubcoreMesh(core_axis_name="c", subcore_axis_name="s")

    @functools.partial(
        pl.kernel,
        out_type=jax.ShapeDtypeStruct((2, _B, 8, 16), jnp.float32),
        mesh=mesh,
        scratch_types=[
            [pltpu.VMEM((_HALF,), jnp.float32)] * 14,
            pltpu.VMEM((36, 16), jnp.float32),
            pltpu.VMEM((8, 16), jnp.float32),
            pltpu.SemaphoreType.DMA,
        ],
        compiler_params=pltpu.CompilerParams(needs_layout_passes=False),
    )
    def k(planes_h, coef_h, out_h, sl_v, cf_v, out_v, sem):
        cid = lax.axis_index("c")
        sid = lax.axis_index("s")
        wid = sid * 2 + cid
        b = wid // 2
        h = wid % 2
        offw = h * _HALF

        cps = [
            pltpu.async_copy(
                planes_h.at[jnp.int32(kk), b, pl.ds(offw, _HALF)],
                sl_v[kk], sem)
            for kk in range(14)
        ]
        cps.append(pltpu.async_copy(coef_h.at[b], cf_v, sem))
        for cp in cps:
            cp.wait()

        zero = jnp.zeros((16,), jnp.float32)
        one = jnp.ones((16,), jnp.float32)
        cd = [cf_v[24 + j] for j in range(12)]

        def direction(v, crow, fbs0):
            ca = [cf_v[crow + j] for j in range(12)]

            def body(i, carry):
                wm, cnt, fbs = carry
                sl = pl.ds(i * 16, 16)
                x = v[0][sl]
                y = v[1][sl]
                z = v[2][sl]
                fx = v[3][sl]
                fy = v[4][sl]
                fz = v[5][sl]
                w = v[6][sl]
                valid = (x == x) | (y == y) | (z == z)
                xc = jnp.where(valid, x, zero)
                yc = jnp.where(valid, y, zero)
                zc = jnp.where(valid, z, zero)
                fxc = jnp.where(valid, fx, zero)
                fyc = jnp.where(valid, fy, zero)
                fzc = jnp.where(valid, fz, zero)
                wc = jnp.where(valid, w, zero)
                e0 = ca[0] * xc + ca[1] * yc + ca[2] * zc + (ca[3] - fxc)
                e1 = ca[4] * xc + ca[5] * yc + ca[6] * zc + (ca[7] - fyc)
                e2 = ca[8] * xc + ca[9] * yc + ca[10] * zc + (ca[11] - fzc)
                q0 = cd[0] * xc + cd[1] * yc + cd[2] * zc + cd[3]
                q1 = cd[4] * xc + cd[5] * yc + cd[6] * zc + cd[7]
                q2 = cd[8] * xc + cd[9] * yc + cd[10] * zc + cd[11]
                wm = wm + (e0 * e0 + e1 * e1 + e2 * e2) * wc
                cnt = cnt + jnp.where(valid, one, zero)
                fbs = fbs + jnp.where(valid, q0 * q0 + q1 * q1 + q2 * q2, zero)
                return wm, cnt, fbs

            return lax.fori_loop(jnp.int32(0), jnp.int32(_ITERS), body,
                                 (zero, zero, fbs0))

        wm_f, cnt_f, fbs = direction(sl_v[:7], 0, zero)
        wm_b, cnt_b, fbs = direction(sl_v[7:], 12, fbs)

        out_v[0] = wm_f
        out_v[1] = cnt_f
        out_v[2] = wm_b
        out_v[3] = cnt_b
        out_v[4] = fbs
        out_v[5] = zero
        out_v[6] = zero
        out_v[7] = zero
        pltpu.sync_copy(out_v, out_h.at[h, b])

    return k(planes, coef)


def _combine_body(p_ref, o0_ref, o1_ref):
    x = p_ref[...]
    s = x[0] + x[1]
    wm_fw = jnp.sum(s[:, 0, :])
    cnt_fw = jnp.sum(s[:, 1, :])
    wm_bw = jnp.sum(s[:, 2, :])
    cnt_bw = jnp.sum(s[:, 3, :])
    loss0 = wm_fw / (3.0 * cnt_fw)
    loss1 = wm_bw / (3.0 * cnt_bw)
    o0_ref[...] = jnp.reshape(0.5 * (loss0 + loss1), (1, 1))
    fb_b = jnp.sum(s[:, 4, :], axis=1)
    cnt_b = jnp.sum(s[:, 1, :] + s[:, 3, :], axis=1)
    o1_ref[...] = jnp.reshape(jnp.mean(fb_b / cnt_b), (1, 1))


def _combine(parts):
    o0, o1 = pl.pallas_call(
        _combine_body,
        out_shape=[
            jax.ShapeDtypeStruct((1, 1), jnp.float32),
            jax.ShapeDtypeStruct((1, 1), jnp.float32),
        ],
    )(parts)
    return o0.reshape(()), o1.reshape(())


def kernel(pc0, static_flow_fw, static_aggr_trafo_fw, staticness_fw,
           pc1, static_flow_bw, static_aggr_trafo_bw, staticness_bw):
    tf_fw = jax.lax.stop_gradient(static_aggr_trafo_fw).astype(jnp.float32)
    tf_bw = jax.lax.stop_gradient(static_aggr_trafo_bw).astype(jnp.float32)
    dt = tf_fw.dtype
    eye3 = jnp.eye(3, dtype=dt)
    a_fw = jnp.concatenate(
        [tf_fw[:, :3, :3] - eye3, tf_fw[:, :3, 3:4]], axis=2).reshape(_B, 12)
    a_bw = jnp.concatenate(
        [tf_bw[:, :3, :3] - eye3, tf_bw[:, :3, 3:4]], axis=2).reshape(_B, 12)
    fb = jnp.sum(tf_bw[:, :, :, None] * tf_fw[:, None, :, :], axis=2)
    d = (fb[:, :3, :] - jnp.eye(4, dtype=dt)[None, :3, :]).reshape(_B, 12)
    coef = jnp.concatenate([a_fw, a_bw, d], axis=1).astype(jnp.float32)
    coef16 = jnp.broadcast_to(coef[:, :, None], (_B, 36, 16))

    planes = jnp.stack(
        [pc0[:, :, 0], pc0[:, :, 1], pc0[:, :, 2],
         static_flow_fw[:, :, 0], static_flow_fw[:, :, 1],
         static_flow_fw[:, :, 2], staticness_fw,
         pc1[:, :, 0], pc1[:, :, 1], pc1[:, :, 2],
         static_flow_bw[:, :, 0], static_flow_bw[:, :, 1],
         static_flow_bw[:, :, 2], staticness_bw], axis=0)
    parts = _sc_partials(planes, coef16)
    return _combine(parts)

# --- scband reference (transcript-rebuilt; emitter-appended) ---
"""Pipeline reference for scband-symmetric-static-points-loss-27315992003141 (READ-ONLY COPY).

The authoritative reference and input builder live on the scoring server;
editing this copy changes nothing except your own understanding.
"""

import jax, jax.numpy as jnp
import numpy as np
jax.config.update("jax_enable_x64", True)

B, N = 16, 2048


def setup_inputs(seed: int = 0) -> dict:
    key = jax.random.key(seed)
    ks = jax.random.split(key, 8)
    len_fw = np.floor(np.linspace(0.5, 1.0, B) * N).astype(np.int64)
    len_bw = np.floor(np.linspace(0.4, 0.95, B) * N).astype(np.int64)
    mfw = jnp.asarray(np.arange(N)[None, :] < len_fw[:, None])
    mbw = jnp.asarray(np.arange(N)[None, :] < len_bw[:, None])

    def pad3(x, m):
        return jnp.where(m[:, :, None], x, jnp.nan)

    pc0 = pad3(jax.random.normal(ks[0], (B, N, 3), jnp.float32) * 10.0, mfw)
    static_flow_fw = pad3(jax.random.normal(ks[1], (B, N, 3), jnp.float32) * 0.1, mfw)
    staticness_fw = jnp.where(mfw, jax.random.uniform(ks[2], (B, N), jnp.float32), jnp.nan)
    static_aggr_trafo_fw = jnp.eye(4, dtype=jnp.float64)[None] + 0.01 * jax.random.normal(ks[3], (B, 4, 4), jnp.float64)
    pc1 = pad3(jax.random.normal(ks[4], (B, N, 3), jnp.float32) * 10.0, mbw)
    static_flow_bw = pad3(jax.random.normal(ks[5], (B, N, 3), jnp.float32) * 0.1, mbw)
    staticness_bw = jnp.where(mbw, jax.random.uniform(ks[6], (B, N), jnp.float32), jnp.nan)
    static_aggr_trafo_bw = jnp.eye(4, dtype=jnp.float64)[None] + 0.01 * jax.random.normal(ks[7], (B, 4, 4), jnp.float64)
    return {
        "pc0": pc0,
        "static_flow_fw": static_flow_fw,
        "static_aggr_trafo_fw": static_aggr_trafo_fw,
        "staticness_fw": staticness_fw,
        "pc1": pc1,
        "static_flow_bw": static_flow_bw,
        "static_aggr_trafo_bw": static_aggr_trafo_bw,
        "staticness_bw": staticness_bw,
    }


def _direction_loss(pc, flow, w, trafo):
    # padded2ragged semantics: rows that are all-NaN are padding; ragged values = valid rows
    mask = jnp.logical_not(jnp.all(jnp.isnan(pc), axis=-1))  # [B, N]
    pc_c = jnp.where(mask[:, :, None], pc, 0.0)
    flow_c = jnp.where(mask[:, :, None], flow, 0.0)
    w_c = jnp.where(mask, w, 0.0)
    pc_hom = jnp.concatenate([pc_c, jnp.ones_like(pc_c[..., :1])], axis=-1)  # [B, N, 4]
    pc_trafo = jnp.sum(
        pc_hom[:, :, None, :].astype(jnp.float64) * jax.lax.stop_gradient(trafo)[:, None, :, :],
        axis=-1,
    )  # [B, N, 4]
    flow_est = (pc_trafo[..., :3] - pc_c.astype(jnp.float64)).astype(jnp.float32)
    # keras MeanSquaredError over ragged flat values with sample_weight:
    # sum(per_point_mse * w) / n_valid_points
    per_point = jnp.mean((flow_est - flow_c) ** 2, axis=-1)  # [B, N]
    n_valid = jnp.sum(mask).astype(jnp.float32)
    return jnp.sum(per_point * w_c) / n_valid


def _trafo_distance(delta, points):
    points = jax.lax.stop_gradient(points)
    p_mask = jnp.logical_not(jnp.all(jnp.isnan(points), axis=-1))  # [B, 2N]
    count = jnp.sum(p_mask.astype(jnp.int32), axis=-1)  # [B]
    points_c = jnp.where(p_mask[:, :, None], points, 0.0)
    points_h = jnp.where(
        p_mask[:, :, None],
        jnp.concatenate([points_c, jnp.ones_like(points_c[..., :1])], axis=-1),
        0.0,
    )
    delta_points = jnp.einsum(
        'bij,bkj->bki', delta[..., :3, :], points_h.astype(jnp.float64)
    ).astype(jnp.float32)
    dls = jnp.sum(delta_points ** 2, axis=-1)
    return jnp.sum(dls, axis=-1) / count.astype(jnp.float32)


def reference(pc0, static_flow_fw, static_aggr_trafo_fw, staticness_fw, pc1, static_flow_bw, static_aggr_trafo_bw, staticness_bw):
    loss0 = _direction_loss(pc0, static_flow_fw, staticness_fw, static_aggr_trafo_fw)
    loss1 = _direction_loss(pc1, static_flow_bw, staticness_bw, static_aggr_trafo_bw)
    fb = jnp.einsum('boc,bcx->box', static_aggr_trafo_bw, static_aggr_trafo_fw)
    delta = fb - jnp.eye(4, dtype=jnp.float64)[None, :, :]
    points = jnp.concatenate([pc0, pc1], axis=1)
    fb_loss = jnp.mean(_trafo_distance(delta, points))
    static_flow_loss = 0.5 * (loss0 + loss1)
    return (static_flow_loss, fb_loss)

if __name__ == "__main__":
    import jax
    _d = setup_inputs()
    print(jax.jit(kernel)(*tuple(_d.values())))

</pallas_src>

<mosaic_0001>
#map = affine_map<(d0, d1) -> (0, 0, 0)>
#map1 = affine_map<(d0, d1) -> (0, 0, 0, 0)>
module attributes {stable_mosaic.version = 14 : i64} {
  func.func @k(%arg0: i32, %arg1: i32, %arg2: memref<14x16x2048xf32, #tpu.memory_space<hbm>>, %arg3: memref<16x36x16xf32, #tpu.memory_space<hbm>>, %arg4: memref<2x16x8x16xf32, #tpu.memory_space<hbm>>, %arg5: memref<1024xf32, #tpu.memory_space<vmem>>, %arg6: memref<1024xf32, #tpu.memory_space<vmem>>, %arg7: memref<1024xf32, #tpu.memory_space<vmem>>, %arg8: memref<1024xf32, #tpu.memory_space<vmem>>, %arg9: memref<1024xf32, #tpu.memory_space<vmem>>, %arg10: memref<1024xf32, #tpu.memory_space<vmem>>, %arg11: memref<1024xf32, #tpu.memory_space<vmem>>, %arg12: memref<1024xf32, #tpu.memory_space<vmem>>, %arg13: memref<1024xf32, #tpu.memory_space<vmem>>, %arg14: memref<1024xf32, #tpu.memory_space<vmem>>, %arg15: memref<1024xf32, #tpu.memory_space<vmem>>, %arg16: memref<1024xf32, #tpu.memory_space<vmem>>, %arg17: memref<1024xf32, #tpu.memory_space<vmem>>, %arg18: memref<1024xf32, #tpu.memory_space<vmem>>, %arg19: memref<36x16xf32, #tpu.memory_space<vmem>>, %arg20: memref<8x16xf32, #tpu.memory_space<vmem>>, %arg21: memref<!tpu.dma_semaphore, #tpu.memory_space<semaphore_mem>>) attributes {dimension_semantics = [#tpu.dimension_semantics<core_parallel>, #tpu.dimension_semantics<subcore_parallel>], iteration_bounds = array<i64: 2, 16>, scalar_prefetch = 0 : i64, scratch_operands = 17 : i64, tpu.core_type = #tpu.core_type<sc_vector_subcore>, window_params = [{transform_indices = #map}, {transform_indices = #map}, {transform_indices = #map1}]} {
    %mul3A = arith.constant 2 : i32
    %mul3A_0 = arith.muli %arg1, %mul3A : i32
    %add3A = arith.addi %mul3A_0, %arg0 : i32
    %jit3A = arith.constant 2 : i64
    %convert_element_type3A = arith.trunci %jit3A : i64 to i32
    %div3A = arith.divsi %add3A, %convert_element_type3A : i32
    %sign3A = arith.constant 0 : i32
    %sign3A_1 = arith.cmpi sgt, %add3A, %sign3A : i32
    %sign3A_2 = arith.extui %sign3A_1 : i1 to i32
    %sign3A_3 = arith.constant 0 : i32
    %sign3A_4 = arith.cmpi slt, %add3A, %sign3A_3 : i32
    %sign3A_5 = arith.extui %sign3A_4 : i1 to i32
    %sign3A_6 = arith.subi %sign3A_2, %sign3A_5 : i32
    %sign3A_7 = arith.constant 0 : i32
    %sign3A_8 = arith.cmpi sgt, %convert_element_type3A, %sign3A_7 : i32
    %sign3A_9 = arith.extui %sign3A_8 : i1 to i32
    %sign3A_10 = arith.constant 0 : i32
    %sign3A_11 = arith.cmpi slt, %convert_element_type3A, %sign3A_10 : i32
    %sign3A_12 = arith.extui %sign3A_11 : i1 to i32
    %sign3A_13 = arith.subi %sign3A_9, %sign3A_12 : i32
    %ne3A = arith.cmpi ne, %sign3A_6, %sign3A_13 : i32
    %rem3A = arith.remsi %add3A, %convert_element_type3A : i32
    %ne3A_14 = arith.constant 0 : i32
    %ne3A_15 = arith.cmpi ne, %rem3A, %ne3A_14 : i32
    %and3A = arith.andi %ne3A, %ne3A_15 : i1
    %sub3A = arith.constant 1 : i32
    %sub3A_16 = arith.subi %div3A, %sub3A : i32
    %select_n3A = arith.select %and3A, %sub3A_16, %div3A : i32
    %jit3A_17 = arith.constant 2 : i64
    %convert_element_type3A_18 = arith.trunci %jit3A_17 : i64 to i32
    %eq3A = arith.constant 0 : i32
    %eq3A_19 = arith.cmpi eq, %convert_element_type3A_18, %eq3A : i32
    %jit3A_20 = arith.constant 1 : i32
    %select_n3A_21 = arith.select %eq3A_19, %jit3A_20, %convert_element_type3A_18 : i32
    %rem3A_22 = arith.remsi %add3A, %select_n3A_21 : i32
    %ne3A_23 = arith.constant 0 : i32
    %ne3A_24 = arith.cmpi ne, %rem3A_22, %ne3A_23 : i32
    %lt3A = arith.constant 0 : i32
    %lt3A_25 = arith.cmpi slt, %rem3A_22, %lt3A : i32
    %lt3A_26 = arith.constant 0 : i32
    %lt3A_27 = arith.cmpi slt, %select_n3A_21, %lt3A_26 : i32
    %ne3A_28 = arith.xori %lt3A_25, %lt3A_27 : i1
    %and3A_29 = arith.andi %ne3A_28, %ne3A_24 : i1
    %add3A_30 = arith.addi %rem3A_22, %select_n3A_21 : i32
    %select_n3A_31 = arith.select %and3A_29, %add3A_30, %rem3A_22 : i32
    %mul3A_32 = arith.constant 1024 : i32
    %mul3A_33 = arith.muli %select_n3A_31, %mul3A_32 : i32
    %dma_start3A = arith.constant 0 : i32
    %dma_start3A_34 = tpu.memref_slice %arg2[%dma_start3A, %select_n3A, %mul3A_33] : memref<14x16x2048xf32, #tpu.memory_space<hbm>> -> memref<1x1x1024xf32, #tpu.memory_space<hbm>>
    %dma_start3A_35 = tpu.memref_squeeze %dma_start3A_34 : memref<1x1x1024xf32, #tpu.memory_space<hbm>> -> memref<1024xf32, #tpu.memory_space<hbm>>
    %dma_start3A_36 = tpu.memref_slice %arg2[%dma_start3A, %select_n3A, %mul3A_33] : memref<14x16x2048xf32, #tpu.memory_space<hbm>> -> memref<1x1x1024xf32, #tpu.memory_space<hbm>>
    %dma_start3A_37 = tpu.memref_squeeze %dma_start3A_36 : memref<1x1x1024xf32, #tpu.memory_space<hbm>> -> memref<1024xf32, #tpu.memory_space<hbm>>
    tpu.enqueue_dma source(%dma_start3A_37 : memref<1024xf32, #tpu.memory_space<hbm>>) target(%arg5 : memref<1024xf32, #tpu.memory_space<vmem>>) target_semaphore(%arg21 : memref<!tpu.dma_semaphore, #tpu.memory_space<semaphore_mem>>)
    %dma_start3A_38 = arith.constant 1 : i32
    %dma_start3A_39 = tpu.memref_slice %arg2[%dma_start3A_38, %select_n3A, %mul3A_33] : memref<14x16x2048xf32, #tpu.memory_space<hbm>> -> memref<1x1x1024xf32, #tpu.memory_space<hbm>>
    %dma_start3A_40 = tpu.memref_squeeze %dma_start3A_39 : memref<1x1x1024xf32, #tpu.memory_space<hbm>> -> memref<1024xf32, #tpu.memory_space<hbm>>
    %dma_start3A_41 = tpu.memref_slice %arg2[%dma_start3A_38, %select_n3A, %mul3A_33] : memref<14x16x2048xf32, #tpu.memory_space<hbm>> -> memref<1x1x1024xf32, #tpu.memory_space<hbm>>
    %dma_start3A_42 = tpu.memref_squeeze %dma_start3A_41 : memref<1x1x1024xf32, #tpu.memory_space<hbm>> -> memref<1024xf32, #tpu.memory_space<hbm>>
    tpu.enqueue_dma source(%dma_start3A_42 : memref<1024xf32, #tpu.memory_space<hbm>>) target(%arg6 : memref<1024xf32, #tpu.memory_space<vmem>>) target_semaphore(%arg21 : memref<!tpu.dma_semaphore, #tpu.memory_space<semaphore_mem>>)
    %dma_start3A_43 = arith.constant 2 : i32
    %dma_start3A_44 = tpu.memref_slice %arg2[%dma_start3A_43, %select_n3A, %mul3A_33] : memref<14x16x2048xf32, #tpu.memory_space<hbm>> -> memref<1x1x1024xf32, #tpu.memory_space<hbm>>
    %dma_start3A_45 = tpu.memref_squeeze %dma_start3A_44 : memref<1x1x1024xf32, #tpu.memory_space<hbm>> -> memref<1024xf32, #tpu.memory_space<hbm>>
    %dma_start3A_46 = tpu.memref_slice %arg2[%dma_start3A_43, %select_n3A, %mul3A_33] : memref<14x16x2048xf32, #tpu.memory_space<hbm>> -> memref<1x1x1024xf32, #tpu.memory_space<hbm>>
    %dma_start3A_47 = tpu.memref_squeeze %dma_start3A_46 : memref<1x1x1024xf32, #tpu.memory_space<hbm>> -> memref<1024xf32, #tpu.memory_space<hbm>>
    tpu.enqueue_dma source(%dma_start3A_47 : memref<1024xf32, #tpu.memory_space<hbm>>) target(%arg7 : memref<1024xf32, #tpu.memory_space<vmem>>) target_semaphore(%arg21 : memref<!tpu.dma_semaphore, #tpu.memory_space<semaphore_mem>>)
    %dma_start3A_48 = arith.constant 3 : i32
    %dma_start3A_49 = tpu.memref_slice %arg2[%dma_start3A_48, %select_n3A, %mul3A_33] : memref<14x16x2048xf32, #tpu.memory_space<hbm>> -> memref<1x1x1024xf32, #tpu.memory_space<hbm>>
    %dma_start3A_50 = tpu.memref_squeeze %dma_start3A_49 : memref<1x1x1024xf32, #tpu.memory_space<hbm>> -> memref<1024xf32, #tpu.memory_space<hbm>>
    %dma_start3A_51 = tpu.memref_slice %arg2[%dma_start3A_48, %select_n3A, %mul3A_33] : memref<14x16x2048xf32, #tpu.memory_space<hbm>> -> memref<1x1x1024xf32, #tpu.memory_space<hbm>>
    %dma_start3A_52 = tpu.memref_squeeze %dma_start3A_51 : memref<1x1x1024xf32, #tpu.memory_space<hbm>> -> memref<1024xf32, #tpu.memory_space<hbm>>
    tpu.enqueue_dma source(%dma_start3A_52 : memref<1024xf32, #tpu.memory_space<hbm>>) target(%arg8 : memref<1024xf32, #tpu.memory_space<vmem>>) target_semaphore(%arg21 : memref<!tpu.dma_semaphore, #tpu.memory_space<semaphore_mem>>)
    %dma_start3A_53 = arith.constant 4 : i32
    %dma_start3A_54 = tpu.memref_slice %arg2[%dma_start3A_53, %select_n3A, %mul3A_33] : memref<14x16x2048xf32, #tpu.memory_space<hbm>> -> memref<1x1x1024xf32, #tpu.memory_space<hbm>>
    %dma_start3A_55 = tpu.memref_squeeze %dma_start3A_54 : memref<1x1x1024xf32, #tpu.memory_space<hbm>> -> memref<1024xf32, #tpu.memory_space<hbm>>
    %dma_start3A_56 = tpu.memref_slice %arg2[%dma_start3A_53, %select_n3A, %mul3A_33] : memref<14x16x2048xf32, #tpu.memory_space<hbm>> -> memref<1x1x1024xf32, #tpu.memory_space<hbm>>
    %dma_start3A_57 = tpu.memref_squeeze %dma_start3A_56 : memref<1x1x1024xf32, #tpu.memory_space<hbm>> -> memref<1024xf32, #tpu.memory_space<hbm>>
    tpu.enqueue_dma source(%dma_start3A_57 : memref<1024xf32, #tpu.memory_space<hbm>>) target(%arg9 : memref<1024xf32, #tpu.memory_space<vmem>>) target_semaphore(%arg21 : memref<!tpu.dma_semaphore, #tpu.memory_space<semaphore_mem>>)
    %dma_start3A_58 = arith.constant 5 : i32
    %dma_start3A_59 = tpu.memref_slice %arg2[%dma_start3A_58, %select_n3A, %mul3A_33] : memref<14x16x2048xf32, #tpu.memory_space<hbm>> -> memref<1x1x1024xf32, #tpu.memory_space<hbm>>
    %dma_start3A_60 = tpu.memref_squeeze %dma_start3A_59 : memref<1x1x1024xf32, #tpu.memory_space<hbm>> -> memref<1024xf32, #tpu.memory_space<hbm>>
    %dma_start3A_61 = tpu.memref_slice %arg2[%dma_start3A_58, %select_n3A, %mul3A_33] : memref<14x16x2048xf32, #tpu.memory_space<hbm>> -> memref<1x1x1024xf32, #tpu.memory_space<hbm>>
    %dma_start3A_62 = tpu.memref_squeeze %dma_start3A_61 : memref<1x1x1024xf32, #tpu.memory_space<hbm>> -> memref<1024xf32, #tpu.memory_space<hbm>>
    tpu.enqueue_dma source(%dma_start3A_62 : memref<1024xf32, #tpu.memory_space<hbm>>) target(%arg10 : memref<1024xf32, #tpu.memory_space<vmem>>) target_semaphore(%arg21 : memref<!tpu.dma_semaphore, #tpu.memory_space<semaphore_mem>>)
    %dma_start3A_63 = arith.constant 6 : i32
    %dma_start3A_64 = tpu.memref_slice %arg2[%dma_start3A_63, %select_n3A, %mul3A_33] : memref<14x16x2048xf32, #tpu.memory_space<hbm>> -> memref<1x1x1024xf32, #tpu.memory_space<hbm>>
    %dma_start3A_65 = tpu.memref_squeeze %dma_start3A_64 : memref<1x1x1024xf32, #tpu.memory_space<hbm>> -> memref<1024xf32, #tpu.memory_space<hbm>>
    %dma_start3A_66 = tpu.memref_slice %arg2[%dma_start3A_63, %select_n3A, %mul3A_33] : memref<14x16x2048xf32, #tpu.memory_space<hbm>> -> memref<1x1x1024xf32, #tpu.memory_space<hbm>>
    %dma_start3A_67 = tpu.memref_squeeze %dma_start3A_66 : memref<1x1x1024xf32, #tpu.memory_space<hbm>> -> memref<1024xf32, #tpu.memory_space<hbm>>
    tpu.enqueue_dma source(%dma_start3A_67 : memref<1024xf32, #tpu.memory_space<hbm>>) target(%arg11 : memref<1024xf32, #tpu.memory_space<vmem>>) target_semaphore(%arg21 : memref<!tpu.dma_semaphore, #tpu.memory_space<semaphore_mem>>)
    %dma_start3A_68 = arith.constant 7 : i32
    %dma_start3A_69 = tpu.memref_slice %arg2[%dma_start3A_68, %select_n3A, %mul3A_33] : memref<14x16x2048xf32, #tpu.memory_space<hbm>> -> memref<1x1x1024xf32, #tpu.memory_space<hbm>>
    %dma_start3A_70 = tpu.memref_squeeze %dma_start3A_69 : memref<1x1x1024xf32, #tpu.memory_space<hbm>> -> memref<1024xf32, #tpu.memory_space<hbm>>
    %dma_start3A_71 = tpu.memref_slice %arg2[%dma_start3A_68, %select_n3A, %mul3A_33] : memref<14x16x2048xf32, #tpu.memory_space<hbm>> -> memref<1x1x1024xf32, #tpu.memory_space<hbm>>
    %dma_start3A_72 = tpu.memref_squeeze %dma_start3A_71 : memref<1x1x1024xf32, #tpu.memory_space<hbm>> -> memref<1024xf32, #tpu.memory_space<hbm>>
    tpu.enqueue_dma source(%dma_start3A_72 : memref<1024xf32, #tpu.memory_space<hbm>>) target(%arg12 : memref<1024xf32, #tpu.memory_space<vmem>>) target_semaphore(%arg21 : memref<!tpu.dma_semaphore, #tpu.memory_space<semaphore_mem>>)
    %dma_start3A_73 = arith.constant 8 : i32
    %dma_start3A_74 = tpu.memref_slice %arg2[%dma_start3A_73, %select_n3A, %mul3A_33] : memref<14x16x2048xf32, #tpu.memory_space<hbm>> -> memref<1x1x1024xf32, #tpu.memory_space<hbm>>
    %dma_start3A_75 = tpu.memref_squeeze %dma_start3A_74 : memref<1x1x1024xf32, #tpu.memory_space<hbm>> -> memref<1024xf32, #tpu.memory_space<hbm>>
    %dma_start3A_76 = tpu.memref_slice %arg2[%dma_start3A_73, %select_n3A, %mul3A_33] : memref<14x16x2048xf32, #tpu.memory_space<hbm>> -> memref<1x1x1024xf32, #tpu.memory_space<hbm>>
    %dma_start3A_77 = tpu.memref_squeeze %dma_start3A_76 : memref<1x1x1024xf32, #tpu.memory_space<hbm>> -> memref<1024xf32, #tpu.memory_space<hbm>>
    tpu.enqueue_dma source(%dma_start3A_77 : memref<1024xf32, #tpu.memory_space<hbm>>) target(%arg13 : memref<1024xf32, #tpu.memory_space<vmem>>) target_semaphore(%arg21 : memref<!tpu.dma_semaphore, #tpu.memory_space<semaphore_mem>>)
    %dma_start3A_78 = arith.constant 9 : i32
    %dma_start3A_79 = tpu.memref_slice %arg2[%dma_start3A_78, %select_n3A, %mul3A_33] : memref<14x16x2048xf32, #tpu.memory_space<hbm>> -> memref<1x1x1024xf32, #tpu.memory_space<hbm>>
    %dma_start3A_80 = tpu.memref_squeeze %dma_start3A_79 : memref<1x1x1024xf32, #tpu.memory_space<hbm>> -> memref<1024xf32, #tpu.memory_space<hbm>>
    %dma_start3A_81 = tpu.memref_slice %arg2[%dma_start3A_78, %select_n3A, %mul3A_33] : memref<14x16x2048xf32, #tpu.memory_space<hbm>> -> memref<1x1x1024xf32, #tpu.memory_space<hbm>>
    %dma_start3A_82 = tpu.memref_squeeze %dma_start3A_81 : memref<1x1x1024xf32, #tpu.memory_space<hbm>> -> memref<1024xf32, #tpu.memory_space<hbm>>
    tpu.enqueue_dma source(%dma_start3A_82 : memref<1024xf32, #tpu.memory_space<hbm>>) target(%arg14 : memref<1024xf32, #tpu.memory_space<vmem>>) target_semaphore(%arg21 : memref<!tpu.dma_semaphore, #tpu.memory_space<semaphore_mem>>)
    %dma_start3A_83 = arith.constant 10 : i32
    %dma_start3A_84 = tpu.memref_slice %arg2[%dma_start3A_83, %select_n3A, %mul3A_33] : memref<14x16x2048xf32, #tpu.memory_space<hbm>> -> memref<1x1x1024xf32, #tpu.memory_space<hbm>>
    %dma_start3A_85 = tpu.memref_squeeze %dma_start3A_84 : memref<1x1x1024xf32, #tpu.memory_space<hbm>> -> memref<1024xf32, #tpu.memory_space<hbm>>
    %dma_start3A_86 = tpu.memref_slice %arg2[%dma_start3A_83, %select_n3A, %mul3A_33] : memref<14x16x2048xf32, #tpu.memory_space<hbm>> -> memref<1x1x1024xf32, #tpu.memory_space<hbm>>
    %dma_start3A_87 = tpu.memref_squeeze %dma_start3A_86 : memref<1x1x1024xf32, #tpu.memory_space<hbm>> -> memref<1024xf32, #tpu.memory_space<hbm>>
    tpu.enqueue_dma source(%dma_start3A_87 : memref<1024xf32, #tpu.memory_space<hbm>>) target(%arg15 : memref<1024xf32, #tpu.memory_space<vmem>>) target_semaphore(%arg21 : memref<!tpu.dma_semaphore, #tpu.memory_space<semaphore_mem>>)
    %dma_start3A_88 = arith.constant 11 : i32
    %dma_start3A_89 = tpu.memref_slice %arg2[%dma_start3A_88, %select_n3A, %mul3A_33] : memref<14x16x2048xf32, #tpu.memory_space<hbm>> -> memref<1x1x1024xf32, #tpu.memory_space<hbm>>
    %dma_start3A_90 = tpu.memref_squeeze %dma_start3A_89 : memref<1x1x1024xf32, #tpu.memory_space<hbm>> -> memref<1024xf32, #tpu.memory_space<hbm>>
    %dma_start3A_91 = tpu.memref_slice %arg2[%dma_start3A_88, %select_n3A, %mul3A_33] : memref<14x16x2048xf32, #tpu.memory_space<hbm>> -> memref<1x1x1024xf32, #tpu.memory_space<hbm>>
    %dma_start3A_92 = tpu.memref_squeeze %dma_start3A_91 : memref<1x1x1024xf32, #tpu.memory_space<hbm>> -> memref<1024xf32, #tpu.memory_space<hbm>>
    tpu.enqueue_dma source(%dma_start3A_92 : memref<1024xf32, #tpu.memory_space<hbm>>) target(%arg16 : memref<1024xf32, #tpu.memory_space<vmem>>) target_semaphore(%arg21 : memref<!tpu.dma_semaphore, #tpu.memory_space<semaphore_mem>>)
    %dma_start3A_93 = arith.constant 12 : i32
    %dma_start3A_94 = tpu.memref_slice %arg2[%dma_start3A_93, %select_n3A, %mul3A_33] : memref<14x16x2048xf32, #tpu.memory_space<hbm>> -> memref<1x1x1024xf32, #tpu.memory_space<hbm>>
    %dma_start3A_95 = tpu.memref_squeeze %dma_start3A_94 : memref<1x1x1024xf32, #tpu.memory_space<hbm>> -> memref<1024xf32, #tpu.memory_space<hbm>>
    %dma_start3A_96 = tpu.memref_slice %arg2[%dma_start3A_93, %select_n3A, %mul3A_33] : memref<14x16x2048xf32, #tpu.memory_space<hbm>> -> memref<1x1x1024xf32, #tpu.memory_space<hbm>>
    %dma_start3A_97 = tpu.memref_squeeze %dma_start3A_96 : memref<1x1x1024xf32, #tpu.memory_space<hbm>> -> memref<1024xf32, #tpu.memory_space<hbm>>
    tpu.enqueue_dma source(%dma_start3A_97 : memref<1024xf32, #tpu.memory_space<hbm>>) target(%arg17 : memref<1024xf32, #tpu.memory_space<vmem>>) target_semaphore(%arg21 : memref<!tpu.dma_semaphore, #tpu.memory_space<semaphore_mem>>)
    %dma_start3A_98 = arith.constant 13 : i32
    %dma_start3A_99 = tpu.memref_slice %arg2[%dma_start3A_98, %select_n3A, %mul3A_33] : memref<14x16x2048xf32, #tpu.memory_space<hbm>> -> memref<1x1x1024xf32, #tpu.memory_space<hbm>>
    %dma_start3A_100 = tpu.memref_squeeze %dma_start3A_99 : memref<1x1x1024xf32, #tpu.memory_space<hbm>> -> memref<1024xf32, #tpu.memory_space<hbm>>
    %dma_start3A_101 = tpu.memref_slice %arg2[%dma_start3A_98, %select_n3A, %mul3A_33] : memref<14x16x2048xf32, #tpu.memory_space<hbm>> -> memref<1x1x1024xf32, #tpu.memory_space<hbm>>
    %dma_start3A_102 = tpu.memref_squeeze %dma_start3A_101 : memref<1x1x1024xf32, #tpu.memory_space<hbm>> -> memref<1024xf32, #tpu.memory_space<hbm>>
    tpu.enqueue_dma source(%dma_start3A_102 : memref<1024xf32, #tpu.memory_space<hbm>>) target(%arg18 : memref<1024xf32, #tpu.memory_space<vmem>>) target_semaphore(%arg21 : memref<!tpu.dma_semaphore, #tpu.memory_space<semaphore_mem>>)
    %dma_start3A_103 = arith.constant 0 : i32
    %dma_start3A_104 = arith.constant 0 : i32
    %dma_start3A_105 = tpu.memref_slice %arg3[%select_n3A, %dma_start3A_103, %dma_start3A_104] : memref<16x36x16xf32, #tpu.memory_space<hbm>> -> memref<1x36x16xf32, #tpu.memory_space<hbm>>
    %dma_start3A_106 = tpu.memref_squeeze %dma_start3A_105 : memref<1x36x16xf32, #tpu.memory_space<hbm>> -> memref<36x16xf32, #tpu.memory_space<hbm>>
    %dma_start3A_107 = arith.constant 0 : i32
    %dma_start3A_108 = arith.constant 0 : i32
    %dma_start3A_109 = tpu.memref_slice %arg3[%select_n3A, %dma_start3A_107, %dma_start3A_108] : memref<16x36x16xf32, #tpu.memory_space<hbm>> -> memref<1x36x16xf32, #tpu.memory_space<hbm>>
    %dma_start3A_110 = tpu.memref_squeeze %dma_start3A_109 : memref<1x36x16xf32, #tpu.memory_space<hbm>> -> memref<36x16xf32, #tpu.memory_space<hbm>>
    tpu.enqueue_dma source(%dma_start3A_110 : memref<36x16xf32, #tpu.memory_space<hbm>>) target(%arg19 : memref<36x16xf32, #tpu.memory_space<vmem>>) target_semaphore(%arg21 : memref<!tpu.dma_semaphore, #tpu.memory_space<semaphore_mem>>)
    %dma_wait3A = arith.constant 0 : i32
    %dma_wait3A_111 = tpu.memref_slice %arg2[%dma_wait3A, %select_n3A, %mul3A_33] : memref<14x16x2048xf32, #tpu.memory_space<hbm>> -> memref<1x1x1024xf32, #tpu.memory_space<hbm>>
    %dma_wait3A_112 = tpu.memref_squeeze %dma_wait3A_111 : memref<1x1x1024xf32, #tpu.memory_space<hbm>> -> memref<1024xf32, #tpu.memory_space<hbm>>
    %dma_wait3A_113 = tpu.memref_slice %arg2[%dma_wait3A, %select_n3A, %mul3A_33] : memref<14x16x2048xf32, #tpu.memory_space<hbm>> -> memref<1x1x1024xf32, #tpu.memory_space<hbm>>
    %dma_wait3A_114 = tpu.memref_squeeze %dma_wait3A_113 : memref<1x1x1024xf32, #tpu.memory_space<hbm>> -> memref<1024xf32, #tpu.memory_space<hbm>>
    tpu.wait_dma2 semaphore(%arg21 : memref<!tpu.dma_semaphore, #tpu.memory_space<semaphore_mem>>) src(%dma_wait3A_114 : memref<1024xf32, #tpu.memory_space<hbm>>) dst(%arg5 : memref<1024xf32, #tpu.memory_space<vmem>>)
    %dma_wait3A_115 = arith.constant 1 : i32
    %dma_wait3A_116 = tpu.memref_slice %arg2[%dma_wait3A_115, %select_n3A, %mul3A_33] : memref<14x16x2048xf32, #tpu.memory_space<hbm>> -> memref<1x1x1024xf32, #tpu.memory_space<hbm>>
    %dma_wait3A_117 = tpu.memref_squeeze %dma_wait3A_116 : memref<1x1x1024xf32, #tpu.memory_space<hbm>> -> memref<1024xf32, #tpu.memory_space<hbm>>
    %dma_wait3A_118 = tpu.memref_slice %arg2[%dma_wait3A_115, %select_n3A, %mul3A_33] : memref<14x16x2048xf32, #tpu.memory_space<hbm>> -> memref<1x1x1024xf32, #tpu.memory_space<hbm>>
    %dma_wait3A_119 = tpu.memref_squeeze %dma_wait3A_118 : memref<1x1x1024xf32, #tpu.memory_space<hbm>> -> memref<1024xf32, #tpu.memory_space<hbm>>
    tpu.wait_dma2 semaphore(%arg21 : memref<!tpu.dma_semaphore, #tpu.memory_space<semaphore_mem>>) src(%dma_wait3A_119 : memref<1024xf32, #tpu.memory_space<hbm>>) dst(%arg6 : memref<1024xf32, #tpu.memory_space<vmem>>)
    %dma_wait3A_120 = arith.constant 2 : i32
    %dma_wait3A_121 = tpu.memref_slice %arg2[%dma_wait3A_120, %select_n3A, %mul3A_33] : memref<14x16x2048xf32, #tpu.memory_space<hbm>> -> memref<1x1x1024xf32, #tpu.memory_space<hbm>>
    %dma_wait3A_122 = tpu.memref_squeeze %dma_wait3A_121 : memref<1x1x1024xf32, #tpu.memory_space<hbm>> -> memref<1024xf32, #tpu.memory_space<hbm>>
    %dma_wait3A_123 = tpu.memref_slice %arg2[%dma_wait3A_120, %select_n3A, %mul3A_33] : memref<14x16x2048xf32, #tpu.memory_space<hbm>> -> memref<1x1x1024xf32, #tpu.memory_space<hbm>>
    %dma_wait3A_124 = tpu.memref_squeeze %dma_wait3A_123 : memref<1x1x1024xf32, #tpu.memory_space<hbm>> -> memref<1024xf32, #tpu.memory_space<hbm>>
    tpu.wait_dma2 semaphore(%arg21 : memref<!tpu.dma_semaphore, #tpu.memory_space<semaphore_mem>>) src(%dma_wait3A_124 : memref<1024xf32, #tpu.memory_space<hbm>>) dst(%arg7 : memref<1024xf32, #tpu.memory_space<vmem>>)
    %dma_wait3A_125 = arith.constant 3 : i32
    %dma_wait3A_126 = tpu.memref_slice %arg2[%dma_wait3A_125, %select_n3A, %mul3A_33] : memref<14x16x2048xf32, #tpu.memory_space<hbm>> -> memref<1x1x1024xf32, #tpu.memory_space<hbm>>
    %dma_wait3A_127 = tpu.memref_squeeze %dma_wait3A_126 : memref<1x1x1024xf32, #tpu.memory_space<hbm>> -> memref<1024xf32, #tpu.memory_space<hbm>>
    %dma_wait3A_128 = tpu.memref_slice %arg2[%dma_wait3A_125, %select_n3A, %mul3A_33] : memref<14x16x2048xf32, #tpu.memory_space<hbm>> -> memref<1x1x1024xf32, #tpu.memory_space<hbm>>
    %dma_wait3A_129 = tpu.memref_squeeze %dma_wait3A_128 : memref<1x1x1024xf32, #tpu.memory_space<hbm>> -> memref<1024xf32, #tpu.memory_space<hbm>>
    tpu.wait_dma2 semaphore(%arg21 : memref<!tpu.dma_semaphore, #tpu.memory_space<semaphore_mem>>) src(%dma_wait3A_129 : memref<1024xf32, #tpu.memory_space<hbm>>) dst(%arg8 : memref<1024xf32, #tpu.memory_space<vmem>>)
    %dma_wait3A_130 = arith.constant 4 : i32
    %dma_wait3A_131 = tpu.memref_slice %arg2[%dma_wait3A_130, %select_n3A, %mul3A_33] : memref<14x16x2048xf32, #tpu.memory_space<hbm>> -> memref<1x1x1024xf32, #tpu.memory_space<hbm>>
    %dma_wait3A_132 = tpu.memref_squeeze %dma_wait3A_131 : memref<1x1x1024xf32, #tpu.memory_space<hbm>> -> memref<1024xf32, #tpu.memory_space<hbm>>
    %dma_wait3A_133 = tpu.memref_slice %arg2[%dma_wait3A_130, %select_n3A, %mul3A_33] : memref<14x16x2048xf32, #tpu.memory_space<hbm>> -> memref<1x1x1024xf32, #tpu.memory_space<hbm>>
    %dma_wait3A_134 = tpu.memref_squeeze %dma_wait3A_133 : memref<1x1x1024xf32, #tpu.memory_space<hbm>> -> memref<1024xf32, #tpu.memory_space<hbm>>
    tpu.wait_dma2 semaphore(%arg21 : memref<!tpu.dma_semaphore, #tpu.memory_space<semaphore_mem>>) src(%dma_wait3A_134 : memref<1024xf32, #tpu.memory_space<hbm>>) dst(%arg9 : memref<1024xf32, #tpu.memory_space<vmem>>)
    %dma_wait3A_135 = arith.constant 5 : i32
    %dma_wait3A_136 = tpu.memref_slice %arg2[%dma_wait3A_135, %select_n3A, %mul3A_33] : memref<14x16x2048xf32, #tpu.memory_space<hbm>> -> memref<1x1x1024xf32, #tpu.memory_space<hbm>>
    %dma_wait3A_137 = tpu.memref_squeeze %dma_wait3A_136 : memref<1x1x1024xf32, #tpu.memory_space<hbm>> -> memref<1024xf32, #tpu.memory_space<hbm>>
    %dma_wait3A_138 = tpu.memref_slice %arg2[%dma_wait3A_135, %select_n3A, %mul3A_33] : memref<14x16x2048xf32, #tpu.memory_space<hbm>> -> memref<1x1x1024xf32, #tpu.memory_space<hbm>>
    %dma_wait3A_139 = tpu.memref_squeeze %dma_wait3A_138 : memref<1x1x1024xf32, #tpu.memory_space<hbm>> -> memref<1024xf32, #tpu.memory_space<hbm>>
    tpu.wait_dma2 semaphore(%arg21 : memref<!tpu.dma_semaphore, #tpu.memory_space<semaphore_mem>>) src(%dma_wait3A_139 : memref<1024xf32, #tpu.memory_space<hbm>>) dst(%arg10 : memref<1024xf32, #tpu.memory_space<vmem>>)
    %dma_wait3A_140 = arith.constant 6 : i32
    %dma_wait3A_141 = tpu.memref_slice %arg2[%dma_wait3A_140, %select_n3A, %mul3A_33] : memref<14x16x2048xf32, #tpu.memory_space<hbm>> -> memref<1x1x1024xf32, #tpu.memory_space<hbm>>
    %dma_wait3A_142 = tpu.memref_squeeze %dma_wait3A_141 : memref<1x1x1024xf32, #tpu.memory_space<hbm>> -> memref<1024xf32, #tpu.memory_space<hbm>>
    %dma_wait3A_143 = tpu.memref_slice %arg2[%dma_wait3A_140, %select_n3A, %mul3A_33] : memref<14x16x2048xf32, #tpu.memory_space<hbm>> -> memref<1x1x1024xf32, #tpu.memory_space<hbm>>
    %dma_wait3A_144 = tpu.memref_squeeze %dma_wait3A_143 : memref<1x1x1024xf32, #tpu.memory_space<hbm>> -> memref<1024xf32, #tpu.memory_space<hbm>>
    tpu.wait_dma2 semaphore(%arg21 : memref<!tpu.dma_semaphore, #tpu.memory_space<semaphore_mem>>) src(%dma_wait3A_144 : memref<1024xf32, #tpu.memory_space<hbm>>) dst(%arg11 : memref<1024xf32, #tpu.memory_space<vmem>>)
    %dma_wait3A_145 = arith.constant 7 : i32
    %dma_wait3A_146 = tpu.memref_slice %arg2[%dma_wait3A_145, %select_n3A, %mul3A_33] : memref<14x16x2048xf32, #tpu.memory_space<hbm>> -> memref<1x1x1024xf32, #tpu.memory_space<hbm>>
    %dma_wait3A_147 = tpu.memref_squeeze %dma_wait3A_146 : memref<1x1x1024xf32, #tpu.memory_space<hbm>> -> memref<1024xf32, #tpu.memory_space<hbm>>
    %dma_wait3A_148 = tpu.memref_slice %arg2[%dma_wait3A_145, %select_n3A, %mul3A_33] : memref<14x16x2048xf32, #tpu.memory_space<hbm>> -> memref<1x1x1024xf32, #tpu.memory_space<hbm>>
    %dma_wait3A_149 = tpu.memref_squeeze %dma_wait3A_148 : memref<1x1x1024xf32, #tpu.memory_space<hbm>> -> memref<1024xf32, #tpu.memory_space<hbm>>
    tpu.wait_dma2 semaphore(%arg21 : memref<!tpu.dma_semaphore, #tpu.memory_space<semaphore_mem>>) src(%dma_wait3A_149 : memref<1024xf32, #tpu.memory_space<hbm>>) dst(%arg12 : memref<1024xf32, #tpu.memory_space<vmem>>)
    %dma_wait3A_150 = arith.constant 8 : i32
    %dma_wait3A_151 = tpu.memref_slice %arg2[%dma_wait3A_150, %select_n3A, %mul3A_33] : memref<14x16x2048xf32, #tpu.memory_space<hbm>> -> memref<1x1x1024xf32, #tpu.memory_space<hbm>>
    %dma_wait3A_152 = tpu.memref_squeeze %dma_wait3A_151 : memref<1x1x1024xf32, #tpu.memory_space<hbm>> -> memref<1024xf32, #tpu.memory_space<hbm>>
    %dma_wait3A_153 = tpu.memref_slice %arg2[%dma_wait3A_150, %select_n3A, %mul3A_33] : memref<14x16x2048xf32, #tpu.memory_space<hbm>> -> memref<1x1x1024xf32, #tpu.memory_space<hbm>>
    %dma_wait3A_154 = tpu.memref_squeeze %dma_wait3A_153 : memref<1x1x1024xf32, #tpu.memory_space<hbm>> -> memref<1024xf32, #tpu.memory_space<hbm>>
    tpu.wait_dma2 semaphore(%arg21 : memref<!tpu.dma_semaphore, #tpu.memory_space<semaphore_mem>>) src(%dma_wait3A_154 : memref<1024xf32, #tpu.memory_space<hbm>>) dst(%arg13 : memref<1024xf32, #tpu.memory_space<vmem>>)
    %dma_wait3A_155 = arith.constant 9 : i32
    %dma_wait3A_156 = tpu.memref_slice %arg2[%dma_wait3A_155, %select_n3A, %mul3A_33] : memref<14x16x2048xf32, #tpu.memory_space<hbm>> -> memref<1x1x1024xf32, #tpu.memory_space<hbm>>
    %dma_wait3A_157 = tpu.memref_squeeze %dma_wait3A_156 : memref<1x1x1024xf32, #tpu.memory_space<hbm>> -> memref<1024xf32, #tpu.memory_space<hbm>>
    %dma_wait3A_158 = tpu.memref_slice %arg2[%dma_wait3A_155, %select_n3A, %mul3A_33] : memref<14x16x2048xf32, #tpu.memory_space<hbm>> -> memref<1x1x1024xf32, #tpu.memory_space<hbm>>
    %dma_wait3A_159 = tpu.memref_squeeze %dma_wait3A_158 : memref<1x1x1024xf32, #tpu.memory_space<hbm>> -> memref<1024xf32, #tpu.memory_space<hbm>>
    tpu.wait_dma2 semaphore(%arg21 : memref<!tpu.dma_semaphore, #tpu.memory_space<semaphore_mem>>) src(%dma_wait3A_159 : memref<1024xf32, #tpu.memory_space<hbm>>) dst(%arg14 : memref<1024xf32, #tpu.memory_space<vmem>>)
    %dma_wait3A_160 = arith.constant 10 : i32
    %dma_wait3A_161 = tpu.memref_slice %arg2[%dma_wait3A_160, %select_n3A, %mul3A_33] : memref<14x16x2048xf32, #tpu.memory_space<hbm>> -> memref<1x1x1024xf32, #tpu.memory_space<hbm>>
    %dma_wait3A_162 = tpu.memref_squeeze %dma_wait3A_161 : memref<1x1x1024xf32, #tpu.memory_space<hbm>> -> memref<1024xf32, #tpu.memory_space<hbm>>
    %dma_wait3A_163 = tpu.memref_slice %arg2[%dma_wait3A_160, %select_n3A, %mul3A_33] : memref<14x16x2048xf32, #tpu.memory_space<hbm>> -> memref<1x1x1024xf32, #tpu.memory_space<hbm>>
    %dma_wait3A_164 = tpu.memref_squeeze %dma_wait3A_163 : memref<1x1x1024xf32, #tpu.memory_space<hbm>> -> memref<1024xf32, #tpu.memory_space<hbm>>
    tpu.wait_dma2 semaphore(%arg21 : memref<!tpu.dma_semaphore, #tpu.memory_space<semaphore_mem>>) src(%dma_wait3A_164 : memref<1024xf32, #tpu.memory_space<hbm>>) dst(%arg15 : memref<1024xf32, #tpu.memory_space<vmem>>)
    %dma_wait3A_165 = arith.constant 11 : i32
    %dma_wait3A_166 = tpu.memref_slice %arg2[%dma_wait3A_165, %select_n3A, %mul3A_33] : memref<14x16x2048xf32, #tpu.memory_space<hbm>> -> memref<1x1x1024xf32, #tpu.memory_space<hbm>>
    %dma_wait3A_167 = tpu.memref_squeeze %dma_wait3A_166 : memref<1x1x1024xf32, #tpu.memory_space<hbm>> -> memref<1024xf32, #tpu.memory_space<hbm>>
    %dma_wait3A_168 = tpu.memref_slice %arg2[%dma_wait3A_165, %select_n3A, %mul3A_33] : memref<14x16x2048xf32, #tpu.memory_space<hbm>> -> memref<1x1x1024xf32, #tpu.memory_space<hbm>>
    %dma_wait3A_169 = tpu.memref_squeeze %dma_wait3A_168 : memref<1x1x1024xf32, #tpu.memory_space<hbm>> -> memref<1024xf32, #tpu.memory_space<hbm>>
    tpu.wait_dma2 semaphore(%arg21 : memref<!tpu.dma_semaphore, #tpu.memory_space<semaphore_mem>>) src(%dma_wait3A_169 : memref<1024xf32, #tpu.memory_space<hbm>>) dst(%arg16 : memref<1024xf32, #tpu.memory_space<vmem>>)
    %dma_wait3A_170 = arith.constant 12 : i32
    %dma_wait3A_171 = tpu.memref_slice %arg2[%dma_wait3A_170, %select_n3A, %mul3A_33] : memref<14x16x2048xf32, #tpu.memory_space<hbm>> -> memref<1x1x1024xf32, #tpu.memory_space<hbm>>
    %dma_wait3A_172 = tpu.memref_squeeze %dma_wait3A_171 : memref<1x1x1024xf32, #tpu.memory_space<hbm>> -> memref<1024xf32, #tpu.memory_space<hbm>>
    %dma_wait3A_173 = tpu.memref_slice %arg2[%dma_wait3A_170, %select_n3A, %mul3A_33] : memref<14x16x2048xf32, #tpu.memory_space<hbm>> -> memref<1x1x1024xf32, #tpu.memory_space<hbm>>
    %dma_wait3A_174 = tpu.memref_squeeze %dma_wait3A_173 : memref<1x1x1024xf32, #tpu.memory_space<hbm>> -> memref<1024xf32, #tpu.memory_space<hbm>>
    tpu.wait_dma2 semaphore(%arg21 : memref<!tpu.dma_semaphore, #tpu.memory_space<semaphore_mem>>) src(%dma_wait3A_174 : memref<1024xf32, #tpu.memory_space<hbm>>) dst(%arg17 : memref<1024xf32, #tpu.memory_space<vmem>>)
    %dma_wait3A_175 = arith.constant 13 : i32
    %dma_wait3A_176 = tpu.memref_slice %arg2[%dma_wait3A_175, %select_n3A, %mul3A_33] : memref<14x16x2048xf32, #tpu.memory_space<hbm>> -> memref<1x1x1024xf32, #tpu.memory_space<hbm>>
    %dma_wait3A_177 = tpu.memref_squeeze %dma_wait3A_176 : memref<1x1x1024xf32, #tpu.memory_space<hbm>> -> memref<1024xf32, #tpu.memory_space<hbm>>
    %dma_wait3A_178 = tpu.memref_slice %arg2[%dma_wait3A_175, %select_n3A, %mul3A_33] : memref<14x16x2048xf32, #tpu.memory_space<hbm>> -> memref<1x1x1024xf32, #tpu.memory_space<hbm>>
    %dma_wait3A_179 = tpu.memref_squeeze %dma_wait3A_178 : memref<1x1x1024xf32, #tpu.memory_space<hbm>> -> memref<1024xf32, #tpu.memory_space<hbm>>
    tpu.wait_dma2 semaphore(%arg21 : memref<!tpu.dma_semaphore, #tpu.memory_space<semaphore_mem>>) src(%dma_wait3A_179 : memref<1024xf32, #tpu.memory_space<hbm>>) dst(%arg18 : memref<1024xf32, #tpu.memory_space<vmem>>)
    %dma_wait3A_180 = arith.constant 0 : i32
    %dma_wait3A_181 = arith.constant 0 : i32
    %dma_wait3A_182 = tpu.memref_slice %arg3[%select_n3A, %dma_wait3A_180, %dma_wait3A_181] : memref<16x36x16xf32, #tpu.memory_space<hbm>> -> memref<1x36x16xf32, #tpu.memory_space<hbm>>
    %dma_wait3A_183 = tpu.memref_squeeze %dma_wait3A_182 : memref<1x36x16xf32, #tpu.memory_space<hbm>> -> memref<36x16xf32, #tpu.memory_space<hbm>>
    %dma_wait3A_184 = arith.constant 0 : i32
    %dma_wait3A_185 = arith.constant 0 : i32
    %dma_wait3A_186 = tpu.memref_slice %arg3[%select_n3A, %dma_wait3A_184, %dma_wait3A_185] : memref<16x36x16xf32, #tpu.memory_space<hbm>> -> memref<1x36x16xf32, #tpu.memory_space<hbm>>
    %dma_wait3A_187 = tpu.memref_squeeze %dma_wait3A_186 : memref<1x36x16xf32, #tpu.memory_space<hbm>> -> memref<36x16xf32, #tpu.memory_space<hbm>>
    tpu.wait_dma2 semaphore(%arg21 : memref<!tpu.dma_semaphore, #tpu.memory_space<semaphore_mem>>) src(%dma_wait3A_187 : memref<36x16xf32, #tpu.memory_space<hbm>>) dst(%arg19 : memref<36x16xf32, #tpu.memory_space<vmem>>)
    %broadcast_in_dim3A = arith.constant 0.000000e+00 : f32
    %broadcast_in_dim3A_188 = vector.broadcast %broadcast_in_dim3A : f32 to vector<16xf32>
    %broadcast_in_dim3A_189 = arith.constant 1.000000e+00 : f32
    %broadcast_in_dim3A_190 = vector.broadcast %broadcast_in_dim3A_189 : f32 to vector<16xf32>
    %get3A = arith.constant 24 : i64
    %get3A_191 = arith.index_cast %get3A : i64 to index
    %get3A_192 = arith.constant 0 : index
    %get3A_193 = tpu.vector_load %arg19[%get3A_191, %get3A_192] {strides = array<i32>} : memref<36x16xf32, #tpu.memory_space<vmem>>, vector<16xf32>,
    %get3A_194 = arith.constant 25 : i64
    %get3A_195 = arith.index_cast %get3A_194 : i64 to index
    %get3A_196 = arith.constant 0 : index
    %get3A_197 = tpu.vector_load %arg19[%get3A_195, %get3A_196] {strides = array<i32>} : memref<36x16xf32, #tpu.memory_space<vmem>>, vector<16xf32>,
    %get3A_198 = arith.constant 26 : i64
    %get3A_199 = arith.index_cast %get3A_198 : i64 to index
    %get3A_200 = arith.constant 0 : index
    %get3A_201 = tpu.vector_load %arg19[%get3A_199, %get3A_200] {strides = array<i32>} : memref<36x16xf32, #tpu.memory_space<vmem>>, vector<16xf32>,
    %get3A_202 = arith.constant 27 : i64
    %get3A_203 = arith.index_cast %get3A_202 : i64 to index
    %get3A_204 = arith.constant 0 : index
    %get3A_205 = tpu.vector_load %arg19[%get3A_203, %get3A_204] {strides = array<i32>} : memref<36x16xf32, #tpu.memory_space<vmem>>, vector<16xf32>,
    %get3A_206 = arith.constant 28 : i64
    %get3A_207 = arith.index_cast %get3A_206 : i64 to index
    %get3A_208 = arith.constant 0 : index
    %get3A_209 = tpu.vector_load %arg19[%get3A_207, %get3A_208] {strides = array<i32>} : memref<36x16xf32, #tpu.memory_space<vmem>>, vector<16xf32>,
    %get3A_210 = arith.constant 29 : i64
    %get3A_211 = arith.index_cast %get3A_210 : i64 to index
    %get3A_212 = arith.constant 0 : index
    %get3A_213 = tpu.vector_load %arg19[%get3A_211, %get3A_212] {strides = array<i32>} : memref<36x16xf32, #tpu.memory_space<vmem>>, vector<16xf32>,
    %get3A_214 = arith.constant 30 : i64
    %get3A_215 = arith.index_cast %get3A_214 : i64 to index
    %get3A_216 = arith.constant 0 : index
    %get3A_217 = tpu.vector_load %arg19[%get3A_215, %get3A_216] {strides = array<i32>} : memref<36x16xf32, #tpu.memory_space<vmem>>, vector<16xf32>,
    %get3A_218 = arith.constant 31 : i64
    %get3A_219 = arith.index_cast %get3A_218 : i64 to index
    %get3A_220 = arith.constant 0 : index
    %get3A_221 = tpu.vector_load %arg19[%get3A_219, %get3A_220] {strides = array<i32>} : memref<36x16xf32, #tpu.memory_space<vmem>>, vector<16xf32>,
    %get3A_222 = arith.constant 32 : i64
    %get3A_223 = arith.index_cast %get3A_222 : i64 to index
    %get3A_224 = arith.constant 0 : index
    %get3A_225 = tpu.vector_load %arg19[%get3A_223, %get3A_224] {strides = array<i32>} : memref<36x16xf32, #tpu.memory_space<vmem>>, vector<16xf32>,
    %get3A_226 = arith.constant 33 : i64
    %get3A_227 = arith.index_cast %get3A_226 : i64 to index
    %get3A_228 = arith.constant 0 : index
    %get3A_229 = tpu.vector_load %arg19[%get3A_227, %get3A_228] {strides = array<i32>} : memref<36x16xf32, #tpu.memory_space<vmem>>, vector<16xf32>,
    %get3A_230 = arith.constant 34 : i64
    %get3A_231 = arith.index_cast %get3A_230 : i64 to index
    %get3A_232 = arith.constant 0 : index
    %get3A_233 = tpu.vector_load %arg19[%get3A_231, %get3A_232] {strides = array<i32>} : memref<36x16xf32, #tpu.memory_space<vmem>>, vector<16xf32>,
    %get3A_234 = arith.constant 35 : i64
    %get3A_235 = arith.index_cast %get3A_234 : i64 to index
    %get3A_236 = arith.constant 0 : index
    %get3A_237 = tpu.vector_load %arg19[%get3A_235, %get3A_236] {strides = array<i32>} : memref<36x16xf32, #tpu.memory_space<vmem>>, vector<16xf32>,
    %get3A_238 = arith.constant 0 : i64
    %get3A_239 = arith.index_cast %get3A_238 : i64 to index
    %get3A_240 = arith.constant 0 : index
    %get3A_241 = tpu.vector_load %arg19[%get3A_239, %get3A_240] {strides = array<i32>} : memref<36x16xf32, #tpu.memory_space<vmem>>, vector<16xf32>,
    %get3A_242 = arith.constant 1 : i64
    %get3A_243 = arith.index_cast %get3A_242 : i64 to index
    %get3A_244 = arith.constant 0 : index
    %get3A_245 = tpu.vector_load %arg19[%get3A_243, %get3A_244] {strides = array<i32>} : memref<36x16xf32, #tpu.memory_space<vmem>>, vector<16xf32>,
    %get3A_246 = arith.constant 2 : i64
    %get3A_247 = arith.index_cast %get3A_246 : i64 to index
    %get3A_248 = arith.constant 0 : index
    %get3A_249 = tpu.vector_load %arg19[%get3A_247, %get3A_248] {strides = array<i32>} : memref<36x16xf32, #tpu.memory_space<vmem>>, vector<16xf32>,
    %get3A_250 = arith.constant 3 : i64
    %get3A_251 = arith.index_cast %get3A_250 : i64 to index
    %get3A_252 = arith.constant 0 : index
    %get3A_253 = tpu.vector_load %arg19[%get3A_251, %get3A_252] {strides = array<i32>} : memref<36x16xf32, #tpu.memory_space<vmem>>, vector<16xf32>,
    %get3A_254 = arith.constant 4 : i64
    %get3A_255 = arith.index_cast %get3A_254 : i64 to index
    %get3A_256 = arith.constant 0 : index
    %get3A_257 = tpu.vector_load %arg19[%get3A_255, %get3A_256] {strides = array<i32>} : memref<36x16xf32, #tpu.memory_space<vmem>>, vector<16xf32>,
    %get3A_258 = arith.constant 5 : i64
    %get3A_259 = arith.index_cast %get3A_258 : i64 to index
    %get3A_260 = arith.constant 0 : index
    %get3A_261 = tpu.vector_load %arg19[%get3A_259, %get3A_260] {strides = array<i32>} : memref<36x16xf32, #tpu.memory_space<vmem>>, vector<16xf32>,
    %get3A_262 = arith.constant 6 : i64
    %get3A_263 = arith.index_cast %get3A_262 : i64 to index
    %get3A_264 = arith.constant 0 : index
    %get3A_265 = tpu.vector_load %arg19[%get3A_263, %get3A_264] {strides = array<i32>} : memref<36x16xf32, #tpu.memory_space<vmem>>, vector<16xf32>,
    %get3A_266 = arith.constant 7 : i64
    %get3A_267 = arith.index_cast %get3A_266 : i64 to index
    %get3A_268 = arith.constant 0 : index
    %get3A_269 = tpu.vector_load %arg19[%get3A_267, %get3A_268] {strides = array<i32>} : memref<36x16xf32, #tpu.memory_space<vmem>>, vector<16xf32>,
    %get3A_270 = arith.constant 8 : i64
    %get3A_271 = arith.index_cast %get3A_270 : i64 to index
    %get3A_272 = arith.constant 0 : index
    %get3A_273 = tpu.vector_load %arg19[%get3A_271, %get3A_272] {strides = array<i32>} : memref<36x16xf32, #tpu.memory_space<vmem>>, vector<16xf32>,
    %get3A_274 = arith.constant 9 : i64
    %get3A_275 = arith.index_cast %get3A_274 : i64 to index
    %get3A_276 = arith.constant 0 : index
    %get3A_277 = tpu.vector_load %arg19[%get3A_275, %get3A_276] {strides = array<i32>} : memref<36x16xf32, #tpu.memory_space<vmem>>, vector<16xf32>,
    %get3A_278 = arith.constant 10 : i64
    %get3A_279 = arith.index_cast %get3A_278 : i64 to index
    %get3A_280 = arith.constant 0 : index
    %get3A_281 = tpu.vector_load %arg19[%get3A_279, %get3A_280] {strides = array<i32>} : memref<36x16xf32, #tpu.memory_space<vmem>>, vector<16xf32>,
    %get3A_282 = arith.constant 11 : i64
    %get3A_283 = arith.index_cast %get3A_282 : i64 to index
    %get3A_284 = arith.constant 0 : index
    %get3A_285 = tpu.vector_load %arg19[%get3A_283, %get3A_284] {strides = array<i32>} : memref<36x16xf32, #tpu.memory_space<vmem>>, vector<16xf32>,
    %while3A = arith.constant 0 : i32
    %while3A_286 = arith.constant 64 : i32
    %while3A_287 = arith.subi %while3A_286, %while3A : i32
    %while3A_288 = arith.addi %while3A, %while3A_287 : i32
    %while3A_289 = arith.constant 1 : i32
    %while3A_290 = arith.divsi %while3A_287, %while3A_289 : i32
    %while3A_291 = arith.muli %while3A_290, %while3A_289 : i32
    %while3A_292 = arith.addi %while3A, %while3A_291 : i32
    %while3A_293 = arith.constant 1 : i32
    %while3A_294:3 = scf.for %while3A_388 = %while3A to %while3A_292 step %while3A_293 iter_args(%while3A_389 = %broadcast_in_dim3A_188, %while3A_390 = %broadcast_in_dim3A_188, %while3A_391 = %broadcast_in_dim3A_188) -> (vector<16xf32>, vector<16xf32>, vector<16xf32>)  : i32 {
      %mul3A_392 = arith.constant 16 : i32
      %mul3A_393 = arith.muli %while3A_388, %mul3A_392 : i32
      %get3A_394 = arith.index_cast %mul3A_393 : i32 to index
      %get3A_395 = tpu.vector_load %arg5[%get3A_394] {strides = array<i32>} : memref<1024xf32, #tpu.memory_space<vmem>>, vector<16xf32>,
      %get3A_396 = arith.index_cast %mul3A_393 : i32 to index
      %get3A_397 = tpu.vector_load %arg6[%get3A_396] {strides = array<i32>} : memref<1024xf32, #tpu.memory_space<vmem>>, vector<16xf32>,
      %get3A_398 = arith.index_cast %mul3A_393 : i32 to index
      %get3A_399 = tpu.vector_load %arg7[%get3A_398] {strides = array<i32>} : memref<1024xf32, #tpu.memory_space<vmem>>, vector<16xf32>,
      %get3A_400 = arith.index_cast %mul3A_393 : i32 to index
      %get3A_401 = tpu.vector_load %arg8[%get3A_400] {strides = array<i32>} : memref<1024xf32, #tpu.memory_space<vmem>>, vector<16xf32>,
      %get3A_402 = arith.index_cast %mul3A_393 : i32 to index
      %get3A_403 = tpu.vector_load %arg9[%get3A_402] {strides = array<i32>} : memref<1024xf32, #tpu.memory_space<vmem>>, vector<16xf32>,
      %get3A_404 = arith.index_cast %mul3A_393 : i32 to index
      %get3A_405 = tpu.vector_load %arg10[%get3A_404] {strides = array<i32>} : memref<1024xf32, #tpu.memory_space<vmem>>, vector<16xf32>,
      %get3A_406 = arith.index_cast %mul3A_393 : i32 to index
      %get3A_407 = tpu.vector_load %arg11[%get3A_406] {strides = array<i32>} : memref<1024xf32, #tpu.memory_space<vmem>>, vector<16xf32>,
      %eq3A_408 = arith.cmpf oeq, %get3A_395, %get3A_395 : vector<16xf32>
      %eq3A_409 = arith.cmpf oeq, %get3A_397, %get3A_397 : vector<16xf32>
      %or3A = arith.ori %eq3A_408, %eq3A_409 : vector<16xi1>
      %eq3A_410 = arith.cmpf oeq, %get3A_399, %get3A_399 : vector<16xf32>
      %or3A_411 = arith.ori %or3A, %eq3A_410 : vector<16xi1>
      %select_n3A_412 = arith.select %or3A_411, %get3A_395, %broadcast_in_dim3A_188 : vector<16xi1>, vector<16xf32>
      %select_n3A_413 = arith.select %or3A_411, %get3A_397, %broadcast_in_dim3A_188 : vector<16xi1>, vector<16xf32>
      %select_n3A_414 = arith.select %or3A_411, %get3A_399, %broadcast_in_dim3A_188 : vector<16xi1>, vector<16xf32>
      %select_n3A_415 = arith.select %or3A_411, %get3A_401, %broadcast_in_dim3A_188 : vector<16xi1>, vector<16xf32>
      %select_n3A_416 = arith.select %or3A_411, %get3A_403, %broadcast_in_dim3A_188 : vector<16xi1>, vector<16xf32>
      %select_n3A_417 = arith.select %or3A_411, %get3A_405, %broadcast_in_dim3A_188 : vector<16xi1>, vector<16xf32>
      %select_n3A_418 = arith.select %or3A_411, %get3A_407, %broadcast_in_dim3A_188 : vector<16xi1>, vector<16xf32>
      %mul3A_419 = arith.mulf %get3A_241, %select_n3A_412 : vector<16xf32>
      %mul3A_420 = arith.mulf %get3A_245, %select_n3A_413 : vector<16xf32>
      %add3A_421 = arith.addf %mul3A_419, %mul3A_420 : vector<16xf32>
      %mul3A_422 = arith.mulf %get3A_249, %select_n3A_414 : vector<16xf32>
      %add3A_423 = arith.addf %add3A_421, %mul3A_422 : vector<16xf32>
      %sub3A_424 = arith.subf %get3A_253, %select_n3A_415 : vector<16xf32>
      %add3A_425 = arith.addf %add3A_423, %sub3A_424 : vector<16xf32>
      %mul3A_426 = arith.mulf %get3A_257, %select_n3A_412 : vector<16xf32>
      %mul3A_427 = arith.mulf %get3A_261, %select_n3A_413 : vector<16xf32>
      %add3A_428 = arith.addf %mul3A_426, %mul3A_427 : vector<16xf32>
      %mul3A_429 = arith.mulf %get3A_265, %select_n3A_414 : vector<16xf32>
      %add3A_430 = arith.addf %add3A_428, %mul3A_429 : vector<16xf32>
      %sub3A_431 = arith.subf %get3A_269, %select_n3A_416 : vector<16xf32>
      %add3A_432 = arith.addf %add3A_430, %sub3A_431 : vector<16xf32>
      %mul3A_433 = arith.mulf %get3A_273, %select_n3A_412 : vector<16xf32>
      %mul3A_434 = arith.mulf %get3A_277, %select_n3A_413 : vector<16xf32>
      %add3A_435 = arith.addf %mul3A_433, %mul3A_434 : vector<16xf32>
      %mul3A_436 = arith.mulf %get3A_281, %select_n3A_414 : vector<16xf32>
      %add3A_437 = arith.addf %add3A_435, %mul3A_436 : vector<16xf32>
      %sub3A_438 = arith.subf %get3A_285, %select_n3A_417 : vector<16xf32>
      %add3A_439 = arith.addf %add3A_437, %sub3A_438 : vector<16xf32>
      %mul3A_440 = arith.mulf %get3A_193, %select_n3A_412 : vector<16xf32>
      %mul3A_441 = arith.mulf %get3A_197, %select_n3A_413 : vector<16xf32>
      %add3A_442 = arith.addf %mul3A_440, %mul3A_441 : vector<16xf32>
      %mul3A_443 = arith.mulf %get3A_201, %select_n3A_414 : vector<16xf32>
      %add3A_444 = arith.addf %add3A_442, %mul3A_443 : vector<16xf32>
      %add3A_445 = arith.addf %add3A_444, %get3A_205 : vector<16xf32>
      %mul3A_446 = arith.mulf %get3A_209, %select_n3A_412 : vector<16xf32>
      %mul3A_447 = arith.mulf %get3A_213, %select_n3A_413 : vector<16xf32>
      %add3A_448 = arith.addf %mul3A_446, %mul3A_447 : vector<16xf32>
      %mul3A_449 = arith.mulf %get3A_217, %select_n3A_414 : vector<16xf32>
      %add3A_450 = arith.addf %add3A_448, %mul3A_449 : vector<16xf32>
      %add3A_451 = arith.addf %add3A_450, %get3A_221 : vector<16xf32>
      %mul3A_452 = arith.mulf %get3A_225, %select_n3A_412 : vector<16xf32>
      %mul3A_453 = arith.mulf %get3A_229, %select_n3A_413 : vector<16xf32>
      %add3A_454 = arith.addf %mul3A_452, %mul3A_453 : vector<16xf32>
      %mul3A_455 = arith.mulf %get3A_233, %select_n3A_414 : vector<16xf32>
      %add3A_456 = arith.addf %add3A_454, %mul3A_455 : vector<16xf32>
      %add3A_457 = arith.addf %add3A_456, %get3A_237 : vector<16xf32>
      %mul3A_458 = arith.mulf %add3A_425, %add3A_425 : vector<16xf32>
      %mul3A_459 = arith.mulf %add3A_432, %add3A_432 : vector<16xf32>
      %add3A_460 = arith.addf %mul3A_458, %mul3A_459 : vector<16xf32>
      %mul3A_461 = arith.mulf %add3A_439, %add3A_439 : vector<16xf32>
      %add3A_462 = arith.addf %add3A_460, %mul3A_461 : vector<16xf32>
      %mul3A_463 = arith.mulf %add3A_462, %select_n3A_418 : vector<16xf32>
      %add3A_464 = arith.addf %while3A_389, %mul3A_463 : vector<16xf32>
      %select_n3A_465 = arith.select %or3A_411, %broadcast_in_dim3A_190, %broadcast_in_dim3A_188 : vector<16xi1>, vector<16xf32>
      %add3A_466 = arith.addf %while3A_390, %select_n3A_465 : vector<16xf32>
      %mul3A_467 = arith.mulf %add3A_445, %add3A_445 : vector<16xf32>
      %mul3A_468 = arith.mulf %add3A_451, %add3A_451 : vector<16xf32>
      %add3A_469 = arith.addf %mul3A_467, %mul3A_468 : vector<16xf32>
      %mul3A_470 = arith.mulf %add3A_457, %add3A_457 : vector<16xf32>
      %add3A_471 = arith.addf %add3A_469, %mul3A_470 : vector<16xf32>
      %select_n3A_472 = arith.select %or3A_411, %add3A_471, %broadcast_in_dim3A_188 : vector<16xi1>, vector<16xf32>
      %add3A_473 = arith.addf %while3A_391, %select_n3A_472 : vector<16xf32>
      scf.yield %add3A_464, %add3A_466, %add3A_473 : vector<16xf32>, vector<16xf32>, vector<16xf32>
    }
    %while3A_295 = arith.constant 1 : i32
    %while3A_296:3 = scf.for %while3A_388 = %while3A_292 to %while3A_288 step %while3A_295 iter_args(%while3A_389 = %while3A_294#0, %while3A_390 = %while3A_294#1, %while3A_391 = %while3A_294#2) -> (vector<16xf32>, vector<16xf32>, vector<16xf32>)  : i32 {
      %mul3A_392 = arith.constant 16 : i32
      %mul3A_393 = arith.muli %while3A_388, %mul3A_392 : i32
      %get3A_394 = arith.index_cast %mul3A_393 : i32 to index
      %get3A_395 = tpu.vector_load %arg5[%get3A_394] {strides = array<i32>} : memref<1024xf32, #tpu.memory_space<vmem>>, vector<16xf32>,
      %get3A_396 = arith.index_cast %mul3A_393 : i32 to index
      %get3A_397 = tpu.vector_load %arg6[%get3A_396] {strides = array<i32>} : memref<1024xf32, #tpu.memory_space<vmem>>, vector<16xf32>,
      %get3A_398 = arith.index_cast %mul3A_393 : i32 to index
      %get3A_399 = tpu.vector_load %arg7[%get3A_398] {strides = array<i32>} : memref<1024xf32, #tpu.memory_space<vmem>>, vector<16xf32>,
      %get3A_400 = arith.index_cast %mul3A_393 : i32 to index
      %get3A_401 = tpu.vector_load %arg8[%get3A_400] {strides = array<i32>} : memref<1024xf32, #tpu.memory_space<vmem>>, vector<16xf32>,
      %get3A_402 = arith.index_cast %mul3A_393 : i32 to index
      %get3A_403 = tpu.vector_load %arg9[%get3A_402] {strides = array<i32>} : memref<1024xf32, #tpu.memory_space<vmem>>, vector<16xf32>,
      %get3A_404 = arith.index_cast %mul3A_393 : i32 to index
      %get3A_405 = tpu.vector_load %arg10[%get3A_404] {strides = array<i32>} : memref<1024xf32, #tpu.memory_space<vmem>>, vector<16xf32>,
      %get3A_406 = arith.index_cast %mul3A_393 : i32 to index
      %get3A_407 = tpu.vector_load %arg11[%get3A_406] {strides = array<i32>} : memref<1024xf32, #tpu.memory_space<vmem>>, vector<16xf32>,
      %eq3A_408 = arith.cmpf oeq, %get3A_395, %get3A_395 : vector<16xf32>
      %eq3A_409 = arith.cmpf oeq, %get3A_397, %get3A_397 : vector<16xf32>
      %or3A = arith.ori %eq3A_408, %eq3A_409 : vector<16xi1>
      %eq3A_410 = arith.cmpf oeq, %get3A_399, %get3A_399 : vector<16xf32>
      %or3A_411 = arith.ori %or3A, %eq3A_410 : vector<16xi1>
      %select_n3A_412 = arith.select %or3A_411, %get3A_395, %broadcast_in_dim3A_188 : vector<16xi1>, vector<16xf32>
      %select_n3A_413 = arith.select %or3A_411, %get3A_397, %broadcast_in_dim3A_188 : vector<16xi1>, vector<16xf32>
      %select_n3A_414 = arith.select %or3A_411, %get3A_399, %broadcast_in_dim3A_188 : vector<16xi1>, vector<16xf32>
      %select_n3A_415 = arith.select %or3A_411, %get3A_401, %broadcast_in_dim3A_188 : vector<16xi1>, vector<16xf32>
      %select_n3A_416 = arith.select %or3A_411, %get3A_403, %broadcast_in_dim3A_188 : vector<16xi1>, vector<16xf32>
      %select_n3A_417 = arith.select %or3A_411, %get3A_405, %broadcast_in_dim3A_188 : vector<16xi1>, vector<16xf32>
      %select_n3A_418 = arith.select %or3A_411, %get3A_407, %broadcast_in_dim3A_188 : vector<16xi1>, vector<16xf32>
      %mul3A_419 = arith.mulf %get3A_241, %select_n3A_412 : vector<16xf32>
      %mul3A_420 = arith.mulf %get3A_245, %select_n3A_413 : vector<16xf32>
      %add3A_421 = arith.addf %mul3A_419, %mul3A_420 : vector<16xf32>
      %mul3A_422 = arith.mulf %get3A_249, %select_n3A_414 : vector<16xf32>
      %add3A_423 = arith.addf %add3A_421, %mul3A_422 : vector<16xf32>
      %sub3A_424 = arith.subf %get3A_253, %select_n3A_415 : vector<16xf32>
      %add3A_425 = arith.addf %add3A_423, %sub3A_424 : vector<16xf32>
      %mul3A_426 = arith.mulf %get3A_257, %select_n3A_412 : vector<16xf32>
      %mul3A_427 = arith.mulf %get3A_261, %select_n3A_413 : vector<16xf32>
      %add3A_428 = arith.addf %mul3A_426, %mul3A_427 : vector<16xf32>
      %mul3A_429 = arith.mulf %get3A_265, %select_n3A_414 : vector<16xf32>
      %add3A_430 = arith.addf %add3A_428, %mul3A_429 : vector<16xf32>
      %sub3A_431 = arith.subf %get3A_269, %select_n3A_416 : vector<16xf32>
      %add3A_432 = arith.addf %add3A_430, %sub3A_431 : vector<16xf32>
      %mul3A_433 = arith.mulf %get3A_273, %select_n3A_412 : vector<16xf32>
      %mul3A_434 = arith.mulf %get3A_277, %select_n3A_413 : vector<16xf32>
      %add3A_435 = arith.addf %mul3A_433, %mul3A_434 : vector<16xf32>
      %mul3A_436 = arith.mulf %get3A_281, %select_n3A_414 : vector<16xf32>
      %add3A_437 = arith.addf %add3A_435, %mul3A_436 : vector<16xf32>
      %sub3A_438 = arith.subf %get3A_285, %select_n3A_417 : vector<16xf32>
      %add3A_439 = arith.addf %add3A_437, %sub3A_438 : vector<16xf32>
      %mul3A_440 = arith.mulf %get3A_193, %select_n3A_412 : vector<16xf32>
      %mul3A_441 = arith.mulf %get3A_197, %select_n3A_413 : vector<16xf32>
      %add3A_442 = arith.addf %mul3A_440, %mul3A_441 : vector<16xf32>
      %mul3A_443 = arith.mulf %get3A_201, %select_n3A_414 : vector<16xf32>
      %add3A_444 = arith.addf %add3A_442, %mul3A_443 : vector<16xf32>
      %add3A_445 = arith.addf %add3A_444, %get3A_205 : vector<16xf32>
      %mul3A_446 = arith.mulf %get3A_209, %select_n3A_412 : vector<16xf32>
      %mul3A_447 = arith.mulf %get3A_213, %select_n3A_413 : vector<16xf32>
      %add3A_448 = arith.addf %mul3A_446, %mul3A_447 : vector<16xf32>
      %mul3A_449 = arith.mulf %get3A_217, %select_n3A_414 : vector<16xf32>
      %add3A_450 = arith.addf %add3A_448, %mul3A_449 : vector<16xf32>
      %add3A_451 = arith.addf %add3A_450, %get3A_221 : vector<16xf32>
      %mul3A_452 = arith.mulf %get3A_225, %select_n3A_412 : vector<16xf32>
      %mul3A_453 = arith.mulf %get3A_229, %select_n3A_413 : vector<16xf32>
      %add3A_454 = arith.addf %mul3A_452, %mul3A_453 : vector<16xf32>
      %mul3A_455 = arith.mulf %get3A_233, %select_n3A_414 : vector<16xf32>
      %add3A_456 = arith.addf %add3A_454, %mul3A_455 : vector<16xf32>
      %add3A_457 = arith.addf %add3A_456, %get3A_237 : vector<16xf32>
      %mul3A_458 = arith.mulf %add3A_425, %add3A_425 : vector<16xf32>
      %mul3A_459 = arith.mulf %add3A_432, %add3A_432 : vector<16xf32>
      %add3A_460 = arith.addf %mul3A_458, %mul3A_459 : vector<16xf32>
      %mul3A_461 = arith.mulf %add3A_439, %add3A_439 : vector<16xf32>
      %add3A_462 = arith.addf %add3A_460, %mul3A_461 : vector<16xf32>
      %mul3A_463 = arith.mulf %add3A_462, %select_n3A_418 : vector<16xf32>
      %add3A_464 = arith.addf %while3A_389, %mul3A_463 : vector<16xf32>
      %select_n3A_465 = arith.select %or3A_411, %broadcast_in_dim3A_190, %broadcast_in_dim3A_188 : vector<16xi1>, vector<16xf32>
      %add3A_466 = arith.addf %while3A_390, %select_n3A_465 : vector<16xf32>
      %mul3A_467 = arith.mulf %add3A_445, %add3A_445 : vector<16xf32>
      %mul3A_468 = arith.mulf %add3A_451, %add3A_451 : vector<16xf32>
      %add3A_469 = arith.addf %mul3A_467, %mul3A_468 : vector<16xf32>
      %mul3A_470 = arith.mulf %add3A_457, %add3A_457 : vector<16xf32>
      %add3A_471 = arith.addf %add3A_469, %mul3A_470 : vector<16xf32>
      %select_n3A_472 = arith.select %or3A_411, %add3A_471, %broadcast_in_dim3A_188 : vector<16xi1>, vector<16xf32>
      %add3A_473 = arith.addf %while3A_391, %select_n3A_472 : vector<16xf32>
      scf.yield %add3A_464, %add3A_466, %add3A_473 : vector<16xf32>, vector<16xf32>, vector<16xf32>
    }
    %get3A_297 = arith.constant 12 : i64
    %get3A_298 = arith.index_cast %get3A_297 : i64 to index
    %get3A_299 = arith.constant 0 : index
    %get3A_300 = tpu.vector_load %arg19[%get3A_298, %get3A_299] {strides = array<i32>} : memref<36x16xf32, #tpu.memory_space<vmem>>, vector<16xf32>,
    %get3A_301 = arith.constant 13 : i64
    %get3A_302 = arith.index_cast %get3A_301 : i64 to index
    %get3A_303 = arith.constant 0 : index
    %get3A_304 = tpu.vector_load %arg19[%get3A_302, %get3A_303] {strides = array<i32>} : memref<36x16xf32, #tpu.memory_space<vmem>>, vector<16xf32>,
    %get3A_305 = arith.constant 14 : i64
    %get3A_306 = arith.index_cast %get3A_305 : i64 to index
    %get3A_307 = arith.constant 0 : index
    %get3A_308 = tpu.vector_load %arg19[%get3A_306, %get3A_307] {strides = array<i32>} : memref<36x16xf32, #tpu.memory_space<vmem>>, vector<16xf32>,
    %get3A_309 = arith.constant 15 : i64
    %get3A_310 = arith.index_cast %get3A_309 : i64 to index
    %get3A_311 = arith.constant 0 : index
    %get3A_312 = tpu.vector_load %arg19[%get3A_310, %get3A_311] {strides = array<i32>} : memref<36x16xf32, #tpu.memory_space<vmem>>, vector<16xf32>,
    %get3A_313 = arith.constant 16 : i64
    %get3A_314 = arith.index_cast %get3A_313 : i64 to index
    %get3A_315 = arith.constant 0 : index
    %get3A_316 = tpu.vector_load %arg19[%get3A_314, %get3A_315] {strides = array<i32>} : memref<36x16xf32, #tpu.memory_space<vmem>>, vector<16xf32>,
    %get3A_317 = arith.constant 17 : i64
    %get3A_318 = arith.index_cast %get3A_317 : i64 to index
    %get3A_319 = arith.constant 0 : index
    %get3A_320 = tpu.vector_load %arg19[%get3A_318, %get3A_319] {strides = array<i32>} : memref<36x16xf32, #tpu.memory_space<vmem>>, vector<16xf32>,
    %get3A_321 = arith.constant 18 : i64
    %get3A_322 = arith.index_cast %get3A_321 : i64 to index
    %get3A_323 = arith.constant 0 : index
    %get3A_324 = tpu.vector_load %arg19[%get3A_322, %get3A_323] {strides = array<i32>} : memref<36x16xf32, #tpu.memory_space<vmem>>, vector<16xf32>,
    %get3A_325 = arith.constant 19 : i64
    %get3A_326 = arith.index_cast %get3A_325 : i64 to index
    %get3A_327 = arith.constant 0 : index
    %get3A_328 = tpu.vector_load %arg19[%get3A_326, %get3A_327] {strides = array<i32>} : memref<36x16xf32, #tpu.memory_space<vmem>>, vector<16xf32>,
    %get3A_329 = arith.constant 20 : i64
    %get3A_330 = arith.index_cast %get3A_329 : i64 to index
    %get3A_331 = arith.constant 0 : index
    %get3A_332 = tpu.vector_load %arg19[%get3A_330, %get3A_331] {strides = array<i32>} : memref<36x16xf32, #tpu.memory_space<vmem>>, vector<16xf32>,
    %get3A_333 = arith.constant 21 : i64
    %get3A_334 = arith.index_cast %get3A_333 : i64 to index
    %get3A_335 = arith.constant 0 : index
    %get3A_336 = tpu.vector_load %arg19[%get3A_334, %get3A_335] {strides = array<i32>} : memref<36x16xf32, #tpu.memory_space<vmem>>, vector<16xf32>,
    %get3A_337 = arith.constant 22 : i64
    %get3A_338 = arith.index_cast %get3A_337 : i64 to index
    %get3A_339 = arith.constant 0 : index
    %get3A_340 = tpu.vector_load %arg19[%get3A_338, %get3A_339] {strides = array<i32>} : memref<36x16xf32, #tpu.memory_space<vmem>>, vector<16xf32>,
    %get3A_341 = arith.constant 23 : i64
    %get3A_342 = arith.index_cast %get3A_341 : i64 to index
    %get3A_343 = arith.constant 0 : index
    %get3A_344 = tpu.vector_load %arg19[%get3A_342, %get3A_343] {strides = array<i32>} : memref<36x16xf32, #tpu.memory_space<vmem>>, vector<16xf32>,
    %while3A_345 = arith.constant 0 : i32
    %while3A_346 = arith.constant 64 : i32
    %while3A_347 = arith.subi %while3A_346, %while3A_345 : i32
    %while3A_348 = arith.addi %while3A_345, %while3A_347 : i32
    %while3A_349 = arith.constant 1 : i32
    %while3A_350 = arith.divsi %while3A_347, %while3A_349 : i32
    %while3A_351 = arith.muli %while3A_350, %while3A_349 : i32
    %while3A_352 = arith.addi %while3A_345, %while3A_351 : i32
    %while3A_353 = arith.constant 1 : i32
    %while3A_354:3 = scf.for %while3A_388 = %while3A_345 to %while3A_352 step %while3A_353 iter_args(%while3A_389 = %broadcast_in_dim3A_188, %while3A_390 = %broadcast_in_dim3A_188, %while3A_391 = %while3A_296#2) -> (vector<16xf32>, vector<16xf32>, vector<16xf32>)  : i32 {
      %mul3A_392 = arith.constant 16 : i32
      %mul3A_393 = arith.muli %while3A_388, %mul3A_392 : i32
      %get3A_394 = arith.index_cast %mul3A_393 : i32 to index
      %get3A_395 = tpu.vector_load %arg12[%get3A_394] {strides = array<i32>} : memref<1024xf32, #tpu.memory_space<vmem>>, vector<16xf32>,
      %get3A_396 = arith.index_cast %mul3A_393 : i32 to index
      %get3A_397 = tpu.vector_load %arg13[%get3A_396] {strides = array<i32>} : memref<1024xf32, #tpu.memory_space<vmem>>, vector<16xf32>,
      %get3A_398 = arith.index_cast %mul3A_393 : i32 to index
      %get3A_399 = tpu.vector_load %arg14[%get3A_398] {strides = array<i32>} : memref<1024xf32, #tpu.memory_space<vmem>>, vector<16xf32>,
      %get3A_400 = arith.index_cast %mul3A_393 : i32 to index
      %get3A_401 = tpu.vector_load %arg15[%get3A_400] {strides = array<i32>} : memref<1024xf32, #tpu.memory_space<vmem>>, vector<16xf32>,
      %get3A_402 = arith.index_cast %mul3A_393 : i32 to index
      %get3A_403 = tpu.vector_load %arg16[%get3A_402] {strides = array<i32>} : memref<1024xf32, #tpu.memory_space<vmem>>, vector<16xf32>,
      %get3A_404 = arith.index_cast %mul3A_393 : i32 to index
      %get3A_405 = tpu.vector_load %arg17[%get3A_404] {strides = array<i32>} : memref<1024xf32, #tpu.memory_space<vmem>>, vector<16xf32>,
      %get3A_406 = arith.index_cast %mul3A_393 : i32 to index
      %get3A_407 = tpu.vector_load %arg18[%get3A_406] {strides = array<i32>} : memref<1024xf32, #tpu.memory_space<vmem>>, vector<16xf32>,
      %eq3A_408 = arith.cmpf oeq, %get3A_395, %get3A_395 : vector<16xf32>
      %eq3A_409 = arith.cmpf oeq, %get3A_397, %get3A_397 : vector<16xf32>
      %or3A = arith.ori %eq3A_408, %eq3A_409 : vector<16xi1>
      %eq3A_410 = arith.cmpf oeq, %get3A_399, %get3A_399 : vector<16xf32>
      %or3A_411 = arith.ori %or3A, %eq3A_410 : vector<16xi1>
      %select_n3A_412 = arith.select %or3A_411, %get3A_395, %broadcast_in_dim3A_188 : vector<16xi1>, vector<16xf32>
      %select_n3A_413 = arith.select %or3A_411, %get3A_397, %broadcast_in_dim3A_188 : vector<16xi1>, vector<16xf32>
      %select_n3A_414 = arith.select %or3A_411, %get3A_399, %broadcast_in_dim3A_188 : vector<16xi1>, vector<16xf32>
      %select_n3A_415 = arith.select %or3A_411, %get3A_401, %broadcast_in_dim3A_188 : vector<16xi1>, vector<16xf32>
      %select_n3A_416 = arith.select %or3A_411, %get3A_403, %broadcast_in_dim3A_188 : vector<16xi1>, vector<16xf32>
      %select_n3A_417 = arith.select %or3A_411, %get3A_405, %broadcast_in_dim3A_188 : vector<16xi1>, vector<16xf32>
      %select_n3A_418 = arith.select %or3A_411, %get3A_407, %broadcast_in_dim3A_188 : vector<16xi1>, vector<16xf32>
      %mul3A_419 = arith.mulf %get3A_300, %select_n3A_412 : vector<16xf32>
      %mul3A_420 = arith.mulf %get3A_304, %select_n3A_413 : vector<16xf32>
      %add3A_421 = arith.addf %mul3A_419, %mul3A_420 : vector<16xf32>
      %mul3A_422 = arith.mulf %get3A_308, %select_n3A_414 : vector<16xf32>
      %add3A_423 = arith.addf %add3A_421, %mul3A_422 : vector<16xf32>
      %sub3A_424 = arith.subf %get3A_312, %select_n3A_415 : vector<16xf32>
      %add3A_425 = arith.addf %add3A_423, %sub3A_424 : vector<16xf32>
      %mul3A_426 = arith.mulf %get3A_316, %select_n3A_412 : vector<16xf32>
      %mul3A_427 = arith.mulf %get3A_320, %select_n3A_413 : vector<16xf32>
      %add3A_428 = arith.addf %mul3A_426, %mul3A_427 : vector<16xf32>
      %mul3A_429 = arith.mulf %get3A_324, %select_n3A_414 : vector<16xf32>
      %add3A_430 = arith.addf %add3A_428, %mul3A_429 : vector<16xf32>
      %sub3A_431 = arith.subf %get3A_328, %select_n3A_416 : vector<16xf32>
      %add3A_432 = arith.addf %add3A_430, %sub3A_431 : vector<16xf32>
      %mul3A_433 = arith.mulf %get3A_332, %select_n3A_412 : vector<16xf32>
      %mul3A_434 = arith.mulf %get3A_336, %select_n3A_413 : vector<16xf32>
      %add3A_435 = arith.addf %mul3A_433, %mul3A_434 : vector<16xf32>
      %mul3A_436 = arith.mulf %get3A_340, %select_n3A_414 : vector<16xf32>
      %add3A_437 = arith.addf %add3A_435, %mul3A_436 : vector<16xf32>
      %sub3A_438 = arith.subf %get3A_344, %select_n3A_417 : vector<16xf32>
      %add3A_439 = arith.addf %add3A_437, %sub3A_438 : vector<16xf32>
      %mul3A_440 = arith.mulf %get3A_193, %select_n3A_412 : vector<16xf32>
      %mul3A_441 = arith.mulf %get3A_197, %select_n3A_413 : vector<16xf32>
      %add3A_442 = arith.addf %mul3A_440, %mul3A_441 : vector<16xf32>
      %mul3A_443 = arith.mulf %get3A_201, %select_n3A_414 : vector<16xf32>
      %add3A_444 = arith.addf %add3A_442, %mul3A_443 : vector<16xf32>
      %add3A_445 = arith.addf %add3A_444, %get3A_205 : vector<16xf32>
      %mul3A_446 = arith.mulf %get3A_209, %select_n3A_412 : vector<16xf32>
      %mul3A_447 = arith.mulf %get3A_213, %select_n3A_413 : vector<16xf32>
      %add3A_448 = arith.addf %mul3A_446, %mul3A_447 : vector<16xf32>
      %mul3A_449 = arith.mulf %get3A_217, %select_n3A_414 : vector<16xf32>
      %add3A_450 = arith.addf %add3A_448, %mul3A_449 : vector<16xf32>
      %add3A_451 = arith.addf %add3A_450, %get3A_221 : vector<16xf32>
      %mul3A_452 = arith.mulf %get3A_225, %select_n3A_412 : vector<16xf32>
      %mul3A_453 = arith.mulf %get3A_229, %select_n3A_413 : vector<16xf32>
      %add3A_454 = arith.addf %mul3A_452, %mul3A_453 : vector<16xf32>
      %mul3A_455 = arith.mulf %get3A_233, %select_n3A_414 : vector<16xf32>
      %add3A_456 = arith.addf %add3A_454, %mul3A_455 : vector<16xf32>
      %add3A_457 = arith.addf %add3A_456, %get3A_237 : vector<16xf32>
      %mul3A_458 = arith.mulf %add3A_425, %add3A_425 : vector<16xf32>
      %mul3A_459 = arith.mulf %add3A_432, %add3A_432 : vector<16xf32>
      %add3A_460 = arith.addf %mul3A_458, %mul3A_459 : vector<16xf32>
      %mul3A_461 = arith.mulf %add3A_439, %add3A_439 : vector<16xf32>
      %add3A_462 = arith.addf %add3A_460, %mul3A_461 : vector<16xf32>
      %mul3A_463 = arith.mulf %add3A_462, %select_n3A_418 : vector<16xf32>
      %add3A_464 = arith.addf %while3A_389, %mul3A_463 : vector<16xf32>
      %select_n3A_465 = arith.select %or3A_411, %broadcast_in_dim3A_190, %broadcast_in_dim3A_188 : vector<16xi1>, vector<16xf32>
      %add3A_466 = arith.addf %while3A_390, %select_n3A_465 : vector<16xf32>
      %mul3A_467 = arith.mulf %add3A_445, %add3A_445 : vector<16xf32>
      %mul3A_468 = arith.mulf %add3A_451, %add3A_451 : vector<16xf32>
      %add3A_469 = arith.addf %mul3A_467, %mul3A_468 : vector<16xf32>
      %mul3A_470 = arith.mulf %add3A_457, %add3A_457 : vector<16xf32>
      %add3A_471 = arith.addf %add3A_469, %mul3A_470 : vector<16xf32>
      %select_n3A_472 = arith.select %or3A_411, %add3A_471, %broadcast_in_dim3A_188 : vector<16xi1>, vector<16xf32>
      %add3A_473 = arith.addf %while3A_391, %select_n3A_472 : vector<16xf32>
      scf.yield %add3A_464, %add3A_466, %add3A_473 : vector<16xf32>, vector<16xf32>, vector<16xf32>
    }
    %while3A_355 = arith.constant 1 : i32
    %while3A_356:3 = scf.for %while3A_388 = %while3A_352 to %while3A_348 step %while3A_355 iter_args(%while3A_389 = %while3A_354#0, %while3A_390 = %while3A_354#1, %while3A_391 = %while3A_354#2) -> (vector<16xf32>, vector<16xf32>, vector<16xf32>)  : i32 {
      %mul3A_392 = arith.constant 16 : i32
      %mul3A_393 = arith.muli %while3A_388, %mul3A_392 : i32
      %get3A_394 = arith.index_cast %mul3A_393 : i32 to index
      %get3A_395 = tpu.vector_load %arg12[%get3A_394] {strides = array<i32>} : memref<1024xf32, #tpu.memory_space<vmem>>, vector<16xf32>,
      %get3A_396 = arith.index_cast %mul3A_393 : i32 to index
      %get3A_397 = tpu.vector_load %arg13[%get3A_396] {strides = array<i32>} : memref<1024xf32, #tpu.memory_space<vmem>>, vector<16xf32>,
      %get3A_398 = arith.index_cast %mul3A_393 : i32 to index
      %get3A_399 = tpu.vector_load %arg14[%get3A_398] {strides = array<i32>} : memref<1024xf32, #tpu.memory_space<vmem>>, vector<16xf32>,
      %get3A_400 = arith.index_cast %mul3A_393 : i32 to index
      %get3A_401 = tpu.vector_load %arg15[%get3A_400] {strides = array<i32>} : memref<1024xf32, #tpu.memory_space<vmem>>, vector<16xf32>,
      %get3A_402 = arith.index_cast %mul3A_393 : i32 to index
      %get3A_403 = tpu.vector_load %arg16[%get3A_402] {strides = array<i32>} : memref<1024xf32, #tpu.memory_space<vmem>>, vector<16xf32>,
      %get3A_404 = arith.index_cast %mul3A_393 : i32 to index
      %get3A_405 = tpu.vector_load %arg17[%get3A_404] {strides = array<i32>} : memref<1024xf32, #tpu.memory_space<vmem>>, vector<16xf32>,
      %get3A_406 = arith.index_cast %mul3A_393 : i32 to index
      %get3A_407 = tpu.vector_load %arg18[%get3A_406] {strides = array<i32>} : memref<1024xf32, #tpu.memory_space<vmem>>, vector<16xf32>,
      %eq3A_408 = arith.cmpf oeq, %get3A_395, %get3A_395 : vector<16xf32>
      %eq3A_409 = arith.cmpf oeq, %get3A_397, %get3A_397 : vector<16xf32>
      %or3A = arith.ori %eq3A_408, %eq3A_409 : vector<16xi1>
      %eq3A_410 = arith.cmpf oeq, %get3A_399, %get3A_399 : vector<16xf32>
      %or3A_411 = arith.ori %or3A, %eq3A_410 : vector<16xi1>
      %select_n3A_412 = arith.select %or3A_411, %get3A_395, %broadcast_in_dim3A_188 : vector<16xi1>, vector<16xf32>
      %select_n3A_413 = arith.select %or3A_411, %get3A_397, %broadcast_in_dim3A_188 : vector<16xi1>, vector<16xf32>
      %select_n3A_414 = arith.select %or3A_411, %get3A_399, %broadcast_in_dim3A_188 : vector<16xi1>, vector<16xf32>
      %select_n3A_415 = arith.select %or3A_411, %get3A_401, %broadcast_in_dim3A_188 : vector<16xi1>, vector<16xf32>
      %select_n3A_416 = arith.select %or3A_411, %get3A_403, %broadcast_in_dim3A_188 : vector<16xi1>, vector<16xf32>
      %select_n3A_417 = arith.select %or3A_411, %get3A_405, %broadcast_in_dim3A_188 : vector<16xi1>, vector<16xf32>
      %select_n3A_418 = arith.select %or3A_411, %get3A_407, %broadcast_in_dim3A_188 : vector<16xi1>, vector<16xf32>
      %mul3A_419 = arith.mulf %get3A_300, %select_n3A_412 : vector<16xf32>
      %mul3A_420 = arith.mulf %get3A_304, %select_n3A_413 : vector<16xf32>
      %add3A_421 = arith.addf %mul3A_419, %mul3A_420 : vector<16xf32>
      %mul3A_422 = arith.mulf %get3A_308, %select_n3A_414 : vector<16xf32>
      %add3A_423 = arith.addf %add3A_421, %mul3A_422 : vector<16xf32>
      %sub3A_424 = arith.subf %get3A_312, %select_n3A_415 : vector<16xf32>
      %add3A_425 = arith.addf %add3A_423, %sub3A_424 : vector<16xf32>
      %mul3A_426 = arith.mulf %get3A_316, %select_n3A_412 : vector<16xf32>
      %mul3A_427 = arith.mulf %get3A_320, %select_n3A_413 : vector<16xf32>
      %add3A_428 = arith.addf %mul3A_426, %mul3A_427 : vector<16xf32>
      %mul3A_429 = arith.mulf %get3A_324, %select_n3A_414 : vector<16xf32>
      %add3A_430 = arith.addf %add3A_428, %mul3A_429 : vector<16xf32>
      %sub3A_431 = arith.subf %get3A_328, %select_n3A_416 : vector<16xf32>
      %add3A_432 = arith.addf %add3A_430, %sub3A_431 : vector<16xf32>
      %mul3A_433 = arith.mulf %get3A_332, %select_n3A_412 : vector<16xf32>
      %mul3A_434 = arith.mulf %get3A_336, %select_n3A_413 : vector<16xf32>
      %add3A_435 = arith.addf %mul3A_433, %mul3A_434 : vector<16xf32>
      %mul3A_436 = arith.mulf %get3A_340, %select_n3A_414 : vector<16xf32>
      %add3A_437 = arith.addf %add3A_435, %mul3A_436 : vector<16xf32>
      %sub3A_438 = arith.subf %get3A_344, %select_n3A_417 : vector<16xf32>
      %add3A_439 = arith.addf %add3A_437, %sub3A_438 : vector<16xf32>
      %mul3A_440 = arith.mulf %get3A_193, %select_n3A_412 : vector<16xf32>
      %mul3A_441 = arith.mulf %get3A_197, %select_n3A_413 : vector<16xf32>
      %add3A_442 = arith.addf %mul3A_440, %mul3A_441 : vector<16xf32>
      %mul3A_443 = arith.mulf %get3A_201, %select_n3A_414 : vector<16xf32>
      %add3A_444 = arith.addf %add3A_442, %mul3A_443 : vector<16xf32>
      %add3A_445 = arith.addf %add3A_444, %get3A_205 : vector<16xf32>
      %mul3A_446 = arith.mulf %get3A_209, %select_n3A_412 : vector<16xf32>
      %mul3A_447 = arith.mulf %get3A_213, %select_n3A_413 : vector<16xf32>
      %add3A_448 = arith.addf %mul3A_446, %mul3A_447 : vector<16xf32>
      %mul3A_449 = arith.mulf %get3A_217, %select_n3A_414 : vector<16xf32>
      %add3A_450 = arith.addf %add3A_448, %mul3A_449 : vector<16xf32>
      %add3A_451 = arith.addf %add3A_450, %get3A_221 : vector<16xf32>
      %mul3A_452 = arith.mulf %get3A_225, %select_n3A_412 : vector<16xf32>
      %mul3A_453 = arith.mulf %get3A_229, %select_n3A_413 : vector<16xf32>
      %add3A_454 = arith.addf %mul3A_452, %mul3A_453 : vector<16xf32>
      %mul3A_455 = arith.mulf %get3A_233, %select_n3A_414 : vector<16xf32>
      %add3A_456 = arith.addf %add3A_454, %mul3A_455 : vector<16xf32>
      %add3A_457 = arith.addf %add3A_456, %get3A_237 : vector<16xf32>
      %mul3A_458 = arith.mulf %add3A_425, %add3A_425 : vector<16xf32>
      %mul3A_459 = arith.mulf %add3A_432, %add3A_432 : vector<16xf32>
      %add3A_460 = arith.addf %mul3A_458, %mul3A_459 : vector<16xf32>
      %mul3A_461 = arith.mulf %add3A_439, %add3A_439 : vector<16xf32>
      %add3A_462 = arith.addf %add3A_460, %mul3A_461 : vector<16xf32>
      %mul3A_463 = arith.mulf %add3A_462, %select_n3A_418 : vector<16xf32>
      %add3A_464 = arith.addf %while3A_389, %mul3A_463 : vector<16xf32>
      %select_n3A_465 = arith.select %or3A_411, %broadcast_in_dim3A_190, %broadcast_in_dim3A_188 : vector<16xi1>, vector<16xf32>
      %add3A_466 = arith.addf %while3A_390, %select_n3A_465 : vector<16xf32>
      %mul3A_467 = arith.mulf %add3A_445, %add3A_445 : vector<16xf32>
      %mul3A_468 = arith.mulf %add3A_451, %add3A_451 : vector<16xf32>
      %add3A_469 = arith.addf %mul3A_467, %mul3A_468 : vector<16xf32>
      %mul3A_470 = arith.mulf %add3A_457, %add3A_457 : vector<16xf32>
      %add3A_471 = arith.addf %add3A_469, %mul3A_470 : vector<16xf32>
      %select_n3A_472 = arith.select %or3A_411, %add3A_471, %broadcast_in_dim3A_188 : vector<16xi1>, vector<16xf32>
      %add3A_473 = arith.addf %while3A_391, %select_n3A_472 : vector<16xf32>
      scf.yield %add3A_464, %add3A_466, %add3A_473 : vector<16xf32>, vector<16xf32>, vector<16xf32>
    }
    %swap3A = arith.constant 0 : i64
    %swap3A_357 = arith.index_cast %swap3A : i64 to index
    %swap3A_358 = arith.constant 0 : index
    %swap3A_359 = tpu.vector_load %arg20[%swap3A_357, %swap3A_358] {strides = array<i32>} : memref<8x16xf32, #tpu.memory_space<vmem>>, vector<16xf32>,
    tpu.vector_store %arg20[%swap3A_357, %swap3A_358], %while3A_296#0 {strides = array<i32>} : memref<8x16xf32, #tpu.memory_space<vmem>>, vector<16xf32>,
    %swap3A_360 = arith.constant 1 : i64
    %swap3A_361 = arith.index_cast %swap3A_360 : i64 to index
    %swap3A_362 = arith.constant 0 : index
    %swap3A_363 = tpu.vector_load %arg20[%swap3A_361, %swap3A_362] {strides = array<i32>} : memref<8x16xf32, #tpu.memory_space<vmem>>, vector<16xf32>,
    tpu.vector_store %arg20[%swap3A_361, %swap3A_362], %while3A_296#1 {strides = array<i32>} : memref<8x16xf32, #tpu.memory_space<vmem>>, vector<16xf32>,
    %swap3A_364 = arith.constant 2 : i64
    %swap3A_365 = arith.index_cast %swap3A_364 : i64 to index
    %swap3A_366 = arith.constant 0 : index
    %swap3A_367 = tpu.vector_load %arg20[%swap3A_365, %swap3A_366] {strides = array<i32>} : memref<8x16xf32, #tpu.memory_space<vmem>>, vector<16xf32>,
    tpu.vector_store %arg20[%swap3A_365, %swap3A_366], %while3A_356#0 {strides = array<i32>} : memref<8x16xf32, #tpu.memory_space<vmem>>, vector<16xf32>,
    %swap3A_368 = arith.constant 3 : i64
    %swap3A_369 = arith.index_cast %swap3A_368 : i64 to index
    %swap3A_370 = arith.constant 0 : index
    %swap3A_371 = tpu.vector_load %arg20[%swap3A_369, %swap3A_370] {strides = array<i32>} : memref<8x16xf32, #tpu.memory_space<vmem>>, vector<16xf32>,
    tpu.vector_store %arg20[%swap3A_369, %swap3A_370], %while3A_356#1 {strides = array<i32>} : memref<8x16xf32, #tpu.memory_space<vmem>>, vector<16xf32>,
    %swap3A_372 = arith.constant 4 : i64
    %swap3A_373 = arith.index_cast %swap3A_372 : i64 to index
    %swap3A_374 = arith.constant 0 : index
    %swap3A_375 = tpu.vector_load %arg20[%swap3A_373, %swap3A_374] {strides = array<i32>} : memref<8x16xf32, #tpu.memory_space<vmem>>, vector<16xf32>,
    tpu.vector_store %arg20[%swap3A_373, %swap3A_374], %while3A_356#2 {strides = array<i32>} : memref<8x16xf32, #tpu.memory_space<vmem>>, vector<16xf32>,
    %swap3A_376 = arith.constant 5 : i64
    %swap3A_377 = arith.index_cast %swap3A_376 : i64 to index
    %swap3A_378 = arith.constant 0 : index
    %swap3A_379 = tpu.vector_load %arg20[%swap3A_377, %swap3A_378] {strides = array<i32>} : memref<8x16xf32, #tpu.memory_space<vmem>>, vector<16xf32>,
    tpu.vector_store %arg20[%swap3A_377, %swap3A_378], %broadcast_in_dim3A_188 {strides = array<i32>} : memref<8x16xf32, #tpu.memory_space<vmem>>, vector<16xf32>,
    %swap3A_380 = arith.constant 6 : i64
    %swap3A_381 = arith.index_cast %swap3A_380 : i64 to index
    %swap3A_382 = arith.constant 0 : index
    %swap3A_383 = tpu.vector_load %arg20[%swap3A_381, %swap3A_382] {strides = array<i32>} : memref<8x16xf32, #tpu.memory_space<vmem>>, vector<16xf32>,
    tpu.vector_store %arg20[%swap3A_381, %swap3A_382], %broadcast_in_dim3A_188 {strides = array<i32>} : memref<8x16xf32, #tpu.memory_space<vmem>>, vector<16xf32>,
    %swap3A_384 = arith.constant 7 : i64
    %swap3A_385 = arith.index_cast %swap3A_384 : i64 to index
    %swap3A_386 = arith.constant 0 : index
    %swap3A_387 = tpu.vector_load %arg20[%swap3A_385, %swap3A_386] {strides = array<i32>} : memref<8x16xf32, #tpu.memory_space<vmem>>, vector<16xf32>,
    tpu.vector_store %arg20[%swap3A_385, %swap3A_386], %broadcast_in_dim3A_188 {strides = array<i32>} : memref<8x16xf32, #tpu.memory_space<vmem>>, vector<16xf32>,
    "tpu.region"() ({
      %run_scoped3A = tpu.sem_alloc : memref<!tpu.dma_semaphore, #tpu.memory_space<semaphore_mem>>
      %dma_start3A_388 = arith.constant 0 : i32
      %dma_start3A_389 = arith.constant 0 : i32
      %dma_start3A_390 = tpu.memref_slice %arg4[%select_n3A_31, %select_n3A, %dma_start3A_388, %dma_start3A_389] : memref<2x16x8x16xf32, #tpu.memory_space<hbm>> -> memref<1x1x8x16xf32, #tpu.memory_space<hbm>>
      %dma_start3A_391 = tpu.memref_squeeze %dma_start3A_390 : memref<1x1x8x16xf32, #tpu.memory_space<hbm>> -> memref<8x16xf32, #tpu.memory_space<hbm>>
      %dma_start3A_392 = arith.constant 0 : i32
      %dma_start3A_393 = arith.constant 0 : i32
      %dma_start3A_394 = tpu.memref_slice %arg4[%select_n3A_31, %select_n3A, %dma_start3A_392, %dma_start3A_393] : memref<2x16x8x16xf32, #tpu.memory_space<hbm>> -> memref<1x1x8x16xf32, #tpu.memory_space<hbm>>
      %dma_start3A_395 = tpu.memref_squeeze %dma_start3A_394 : memref<1x1x8x16xf32, #tpu.memory_space<hbm>> -> memref<8x16xf32, #tpu.memory_space<hbm>>
      tpu.enqueue_dma source(%arg20 : memref<8x16xf32, #tpu.memory_space<vmem>>) target(%dma_start3A_395 : memref<8x16xf32, #tpu.memory_space<hbm>>) target_semaphore(%run_scoped3A : memref<!tpu.dma_semaphore, #tpu.memory_space<semaphore_mem>>)
      %dma_wait3A_396 = arith.constant 0 : i32
      %dma_wait3A_397 = arith.constant 0 : i32
      %dma_wait3A_398 = tpu.memref_slice %arg4[%select_n3A_31, %select_n3A, %dma_wait3A_396, %dma_wait3A_397] : memref<2x16x8x16xf32, #tpu.memory_space<hbm>> -> memref<1x1x8x16xf32, #tpu.memory_space<hbm>>
      %dma_wait3A_399 = tpu.memref_squeeze %dma_wait3A_398 : memref<1x1x8x16xf32, #tpu.memory_space<hbm>> -> memref<8x16xf32, #tpu.memory_space<hbm>>
      %dma_wait3A_400 = arith.constant 0 : i32
      %dma_wait3A_401 = arith.constant 0 : i32
      %dma_wait3A_402 = tpu.memref_slice %arg4[%select_n3A_31, %select_n3A, %dma_wait3A_400, %dma_wait3A_401] : memref<2x16x8x16xf32, #tpu.memory_space<hbm>> -> memref<1x1x8x16xf32, #tpu.memory_space<hbm>>
      %dma_wait3A_403 = tpu.memref_squeeze %dma_wait3A_402 : memref<1x1x8x16xf32, #tpu.memory_space<hbm>> -> memref<8x16xf32, #tpu.memory_space<hbm>>
      tpu.wait_dma2 semaphore(%run_scoped3A : memref<!tpu.dma_semaphore, #tpu.memory_space<semaphore_mem>>) src(%arg20 : memref<8x16xf32, #tpu.memory_space<vmem>>) dst(%dma_wait3A_403 : memref<8x16xf32, #tpu.memory_space<hbm>>)
      tpu.yield
    }) : () -> ()
    return
  }
}

module attributes {stable_mosaic.version = 14 : i64} {
  func.func @_combine_body(%arg0: memref<2x16x8x16xf32, #tpu.memory_space<vmem>>, %arg1: memref<1x1xf32, #tpu.memory_space<vmem>>, %arg2: memref<1x1xf32, #tpu.memory_space<vmem>>) attributes {dimension_semantics = [], scalar_prefetch = 0 : i64, scratch_operands = 0 : i64, tpu.core_type = #tpu.core_type<tc>} {
    %get3A = arith.constant 0 : index
    %get3A_0 = arith.constant 0 : index
    %get3A_1 = arith.constant 0 : index
    %get3A_2 = arith.constant 0 : index
    %get3A_3 = vector.load %arg0[%get3A, %get3A_0, %get3A_1, %get3A_2] : memref<2x16x8x16xf32, #tpu.memory_space<vmem>>, vector<2x16x8x16xf32>
    %slice3A = vector.extract_strided_slice %get3A_3 {offsets = [0, 0, 0, 0], sizes = [1, 16, 8, 16], strides = [1, 1, 1, 1]} : vector<2x16x8x16xf32> to vector<1x16x8x16xf32>
    %squeeze3A = vector.shape_cast %slice3A : vector<1x16x8x16xf32> to vector<16x8x16xf32>
    %slice3A_4 = vector.extract_strided_slice %get3A_3 {offsets = [1, 0, 0, 0], sizes = [1, 16, 8, 16], strides = [1, 1, 1, 1]} : vector<2x16x8x16xf32> to vector<1x16x8x16xf32>
    %squeeze3A_5 = vector.shape_cast %slice3A_4 : vector<1x16x8x16xf32> to vector<16x8x16xf32>
    %add3A = arith.addf %squeeze3A, %squeeze3A_5 : vector<16x8x16xf32>
    %slice3A_6 = vector.extract_strided_slice %add3A {offsets = [0, 0, 0], sizes = [16, 1, 16], strides = [1, 1, 1]} : vector<16x8x16xf32> to vector<16x1x16xf32>
    %squeeze3A_7 = vector.shape_cast %slice3A_6 : vector<16x1x16xf32> to vector<16x16xf32>
    %reduce_sum3A = vector.shape_cast %squeeze3A_7 : vector<16x16xf32> to vector<1x16x16xf32>
    %reduce_sum3A_8 = arith.constant dense<0.000000e+00> : vector<1xf32>
    %reduce_sum3A_9 = vector.multi_reduction <add>, %reduce_sum3A, %reduce_sum3A_8 [1, 2] : vector<1x16x16xf32> to vector<1xf32>
    %reduce_sum3A_10 = vector.shape_cast %reduce_sum3A_9 : vector<1xf32> to vector<1x1x1xf32>
    %reduce_sum3A_11 = vector.extract %reduce_sum3A_10[0, 0, 0] : f32 from vector<1x1x1xf32>
    %slice3A_12 = vector.extract_strided_slice %add3A {offsets = [0, 1, 0], sizes = [16, 1, 16], strides = [1, 1, 1]} : vector<16x8x16xf32> to vector<16x1x16xf32>
    %squeeze3A_13 = vector.shape_cast %slice3A_12 : vector<16x1x16xf32> to vector<16x16xf32>
    %reduce_sum3A_14 = vector.shape_cast %squeeze3A_13 : vector<16x16xf32> to vector<1x16x16xf32>
    %reduce_sum3A_15 = arith.constant dense<0.000000e+00> : vector<1xf32>
    %reduce_sum3A_16 = vector.multi_reduction <add>, %reduce_sum3A_14, %reduce_sum3A_15 [1, 2] : vector<1x16x16xf32> to vector<1xf32>
    %reduce_sum3A_17 = vector.shape_cast %reduce_sum3A_16 : vector<1xf32> to vector<1x1x1xf32>
    %reduce_sum3A_18 = vector.extract %reduce_sum3A_17[0, 0, 0] : f32 from vector<1x1x1xf32>
    %slice3A_19 = vector.extract_strided_slice %add3A {offsets = [0, 2, 0], sizes = [16, 1, 16], strides = [1, 1, 1]} : vector<16x8x16xf32> to vector<16x1x16xf32>
    %squeeze3A_20 = vector.shape_cast %slice3A_19 : vector<16x1x16xf32> to vector<16x16xf32>
    %reduce_sum3A_21 = vector.shape_cast %squeeze3A_20 : vector<16x16xf32> to vector<1x16x16xf32>
    %reduce_sum3A_22 = arith.constant dense<0.000000e+00> : vector<1xf32>
    %reduce_sum3A_23 = vector.multi_reduction <add>, %reduce_sum3A_21, %reduce_sum3A_22 [1, 2] : vector<1x16x16xf32> to vector<1xf32>
    %reduce_sum3A_24 = vector.shape_cast %reduce_sum3A_23 : vector<1xf32> to vector<1x1x1xf32>
    %reduce_sum3A_25 = vector.extract %reduce_sum3A_24[0, 0, 0] : f32 from vector<1x1x1xf32>
    %slice3A_26 = vector.extract_strided_slice %add3A {offsets = [0, 3, 0], sizes = [16, 1, 16], strides = [1, 1, 1]} : vector<16x8x16xf32> to vector<16x1x16xf32>
    %squeeze3A_27 = vector.shape_cast %slice3A_26 : vector<16x1x16xf32> to vector<16x16xf32>
    %reduce_sum3A_28 = vector.shape_cast %squeeze3A_27 : vector<16x16xf32> to vector<1x16x16xf32>
    %reduce_sum3A_29 = arith.constant dense<0.000000e+00> : vector<1xf32>
    %reduce_sum3A_30 = vector.multi_reduction <add>, %reduce_sum3A_28, %reduce_sum3A_29 [1, 2] : vector<1x16x16xf32> to vector<1xf32>
    %reduce_sum3A_31 = vector.shape_cast %reduce_sum3A_30 : vector<1xf32> to vector<1x1x1xf32>
    %reduce_sum3A_32 = vector.extract %reduce_sum3A_31[0, 0, 0] : f32 from vector<1x1x1xf32>
    %mul3A = arith.constant 3.000000e+00 : f32
    %mul3A_33 = arith.mulf %mul3A, %reduce_sum3A_18 : f32
    %div3A = arith.divf %reduce_sum3A_11, %mul3A_33 : f32
    %mul3A_34 = arith.constant 3.000000e+00 : f32
    %mul3A_35 = arith.mulf %mul3A_34, %reduce_sum3A_32 : f32
    %div3A_36 = arith.divf %reduce_sum3A_25, %mul3A_35 : f32
    %add3A_37 = arith.addf %div3A, %div3A_36 : f32
    %mul3A_38 = arith.constant 5.000000e-01 : f32
    %mul3A_39 = arith.mulf %mul3A_38, %add3A_37 : f32
    %reshape3A = vector.broadcast %mul3A_39 : f32 to vector<1x1xf32>
    %swap3A = arith.constant 0 : index
    %swap3A_40 = arith.constant 0 : index
    %swap3A_41 = vector.load %arg1[%swap3A, %swap3A_40] : memref<1x1xf32, #tpu.memory_space<vmem>>, vector<1x1xf32>
    tpu.vector_store %arg1[%swap3A, %swap3A_40], %reshape3A {strides = array<i32>} : memref<1x1xf32, #tpu.memory_space<vmem>>, vector<1x1xf32>,
    %slice3A_42 = vector.extract_strided_slice %add3A {offsets = [0, 4, 0], sizes = [16, 1, 16], strides = [1, 1, 1]} : vector<16x8x16xf32> to vector<16x1x16xf32>
    %squeeze3A_43 = vector.shape_cast %slice3A_42 : vector<16x1x16xf32> to vector<16x16xf32>
    %reduce_sum3A_44 = arith.constant dense<0.000000e+00> : vector<16xf32>
    %reduce_sum3A_45 = vector.multi_reduction <add>, %squeeze3A_43, %reduce_sum3A_44 [1] : vector<16x16xf32> to vector<16xf32>
    %slice3A_46 = vector.extract_strided_slice %add3A {offsets = [0, 1, 0], sizes = [16, 1, 16], strides = [1, 1, 1]} : vector<16x8x16xf32> to vector<16x1x16xf32>
    %squeeze3A_47 = vector.shape_cast %slice3A_46 : vector<16x1x16xf32> to vector<16x16xf32>
    %slice3A_48 = vector.extract_strided_slice %add3A {offsets = [0, 3, 0], sizes = [16, 1, 16], strides = [1, 1, 1]} : vector<16x8x16xf32> to vector<16x1x16xf32>
    %squeeze3A_49 = vector.shape_cast %slice3A_48 : vector<16x1x16xf32> to vector<16x16xf32>
    %add3A_50 = arith.addf %squeeze3A_47, %squeeze3A_49 : vector<16x16xf32>
    %reduce_sum3A_51 = arith.constant dense<0.000000e+00> : vector<16xf32>
    %reduce_sum3A_52 = vector.multi_reduction <add>, %add3A_50, %reduce_sum3A_51 [1] : vector<16x16xf32> to vector<16xf32>
    %div3A_53 = arith.divf %reduce_sum3A_45, %reduce_sum3A_52 : vector<16xf32>
    %reduce_sum3A_54 = vector.shape_cast %div3A_53 : vector<16xf32> to vector<1x16xf32>
    %reduce_sum3A_55 = arith.constant dense<0.000000e+00> : vector<1xf32>
    %reduce_sum3A_56 = vector.multi_reduction <add>, %reduce_sum3A_54, %reduce_sum3A_55 [1] : vector<1x16xf32> to vector<1xf32>
    %reduce_sum3A_57 = vector.shape_cast %reduce_sum3A_56 : vector<1xf32> to vector<1x1xf32>
    %reduce_sum3A_58 = vector.extract %reduce_sum3A_57[0, 0] : f32 from vector<1x1xf32>
    %div3A_59 = arith.constant 1.600000e+01 : f32
    %div3A_60 = arith.divf %reduce_sum3A_58, %div3A_59 : f32
    %reshape3A_61 = vector.broadcast %div3A_60 : f32 to vector<1x1xf32>
    %swap3A_62 = arith.constant 0 : index
    %swap3A_63 = arith.constant 0 : index
    %swap3A_64 = vector.load %arg2[%swap3A_62, %swap3A_63] : memref<1x1xf32, #tpu.memory_space<vmem>>, vector<1x1xf32>
    tpu.vector_store %arg2[%swap3A_62, %swap3A_63], %reshape3A_61 {strides = array<i32>} : memref<1x1xf32, #tpu.memory_space<vmem>>, vector<1x1xf32>,
    return
  }
}

</mosaic_0001>

<sc_bundles>
// kernel: kernel.4.cloned.1.call-start
scs
__scs_entry_jumppad:
0x0: {  	(pc) =	sbr.rel $0x88, $3  }
0x1: {  	(tag) =	ssettag $0x0;
	lr =	simm.s32 $0x1  }
0x2: {  	[smem:$0x3F99] =	sst lr;
	_ =	strace $0xD0000000  }
0x3: {  	_ = 	snop  }
0x4: {  	_ = 	snop  }
0x5: {  	_ = 	snop  }
0x6: {  	_ = 	snop  }
0x7: {  	_ = 	snop  }
__scs_overlays_trampoline_lowered:
0x8: {  	[smem:$0x3FA8] =	sst s0  }
0x9: {  	[smem:$0x3FA9] =	sst s1  }
0xa: {  	[smem:$0x3FAA] =	sst s2  }
0xb: {  	[smem:$0x3FAB] =	sst s3  }
0xc: {  	[smem:$0x3FAC] =	sst s4  }
0xd: {  	[smem:$0x3FAD] =	sst s5  }
0xe: {  	[smem:$0x3FAE] =	sst s6  }
0xf: {  	[smem:$0x3FAF] =	sst s7  }
0x10: {  	[smem:$0x3FB0] =	sst s8  }
0x11: {  	[smem:$0x3FB1] =	sst s9;
	s0 =	simm.s32 @!p0 $0x0  }
0x12: {  	s1 =	sld [smem:$0x3F97];
	s0 =	simm.s32 @p0 $0x1  }
0x13: {  	[smem:$0x3FB2] =	sst s0;
	s0 =	simm.s32 @!p1 $0x0  }
0x14: {  	s2 =	sld [smem:$0x3F96];
	s0 =	simm.s32 @p1 $0x1  }
0x15: {  	[smem:$0x3FB3] =	sst s0;
	s0 =	simm.s32 @!p2 $0x0  }
0x16: {  	s3 =	sld [smem:$0x3FDB];
	s0 =	simm.s32 @p2 $0x1  }
0x17: {  	s4 =	simm.s32 $0x1BF5;
	[smem:$0x3FB5] =	sst s0  }
0x18: {  	s0 =	sld [smem:$0x3F98];
	_ =	swait.ge [sflag:s4], $0x0  }
0x19: {  	s7 =	sld [smem:$0x3F99]  }
0x1a: {  	s8 =	sadd.s32 $0xFFFFE003, lr  }
0x1b: {  	s9 =	sadd.s32 $0xFFFFFEF7, lr;
	s5 =	simm.s32 $0xFFFFFFFF;
	p2 =	slt.u32 s8, $0xFFFFF086  }
0x1c: {  	p1 =	slt.u32 s9, $0xF7A;
	s5 =	simm.s32 @!p2 $0x0  }
0x1d: {  	s5 =	simm.s32 @p1 $0x1;
	p0 =	seq.s32 s7, s2  }
0x1e: {  	s7 =	smul.u32 @!p0 $0xF7A, s2;
	p2 =	seq.s32 @!p0 s5, $0x0  }
0x1f: {  	s9 =	smul.u32 $0xF7A, s1;
	s8 =	simm.s32 @!p0 $0x1BF5;
	p2 =	por !p2, p0  }
0x20: {  	[sflag:s8] =	ssyncset.s32 @!p0 $0xFFFFF086;
	s6 =	sadd.s32 @!p0 s3, s7;
	s7 =	simm.s32 @!p0 $0x108  }
0x21: {  	s3 =	sadd.s32 s3, s9;
	s6 =	sadd.s32 @!p0 $0x88, s6;
	s7 =	simm.s32 @p2 $0x1082  }
0x22: {  	[simem:s7], [sflag:s8] =	dma.local @!p0 [hbm:s6], $0xF7A  }
0x23: {  	s9 =	sor.u32 $0xD0000000, s2;
	s6 =	simm.s32 $0x108;
	_ =	swait.ge @!p0 [sflag:s8], $0x0  }
0x24: {  	s3 =	sadd.s32 $0x88, s3;
	s6 =	simm.s32 @!p1 $0x1082;
	[sflag:s4] =	ssyncset.s32 $0xFFFFF086  }
0x25: {  	[simem:s6], [sflag:s4] =	dma.local [hbm:s3], $0xF7A  }
0x26: {  	[smem:$0x3F99] =	sst s1;
	(tag) =	ssettag s2;
	_ =	strace s9  }
0x27: {  	s1 =	sld [smem:$0x3FA9]  }
0x28: {  	s2 =	sld [smem:$0x3FAA]  }
0x29: {  	s4 =	sld [smem:$0x3FAC]  }
0x2a: {  	p0 =	seq.s32 s5, $0x0;
	s5 =	sld [smem:$0x3FAD]  }
0x2b: {  	s6 =	sld [smem:$0x3FAE]  }
0x2c: {  	s7 =	sld [smem:$0x3FAF]  }
0x2d: {  	s3 =	simm.s32 $0x108;
	s8 =	sld [smem:$0x3FB0]  }
0x2e: {  	s3 =	simm.s32 @!p0 $0x1082;
	s9 =	sld [smem:$0x3FB1]  }
0x2f: {  	lr =	sadd.s32 s0, s3;
	s0 =	sld [smem:$0x3FA8]  }
0x30: {  	s3 =	sld [smem:$0x3FAB]  }
0x31: {  	[smem:$0x3FB4] =	sst s10  }
0x32: {  	s10 =	sld [smem:$0x3FB2];
	_ =	sdelay $0x3  }
0x33: {  	p0 =	seq.s32 s10, $0x1;
	s10 =	sld [smem:$0x3FB4];
	_ =	sdelay $0x3  }
0x34: {  	[smem:$0x3FB4] =	sst s10  }
0x35: {  	s10 =	sld [smem:$0x3FB3];
	_ =	sdelay $0x3  }
0x36: {  	p1 =	seq.s32 s10, $0x1;
	s10 =	sld [smem:$0x3FB4];
	_ =	sdelay $0x3  }
0x37: {  	[smem:$0x3FB4] =	sst s10  }
0x38: {  	s10 =	sld [smem:$0x3FB5]  }
0x39: {  	_ = 	snop;
	(pc) =	sbr.ind lr, $3  }
0x3a: {  	_ = 	snop  }
0x3b: {  	_ = 	snop  }
0x3c: {  	p2 =	seq.s32 s10, $0x1;
	s10 =	sld [smem:$0x3FB4]  }
0x3d: {  	_ =	shalt  }
0x3e: {  	_ =	shalt  }
0x3f: {  	_ =	shalt  }
0x40: {  	_ =	shalt  }
0x41: {  	_ =	shalt  }
0x42: {  	_ =	shalt  }
0x43: {  	_ =	shalt  }
0x44: {  	_ =	shalt  }
0x45: {  	_ =	shalt  }
0x46: {  	_ =	shalt  }
0x47: {  	_ =	shalt  }
0x48: {  	_ =	shalt  }
0x49: {  	_ =	shalt  }
0x4a: {  	_ =	shalt  }
0x4b: {  	_ =	shalt  }
0x4c: {  	_ =	shalt  }
0x4d: {  	_ =	shalt  }
0x4e: {  	_ =	shalt  }
0x4f: {  	_ =	shalt  }
0x50: {  	_ =	shalt  }
0x51: {  	_ =	shalt  }
0x52: {  	_ =	shalt  }
0x53: {  	_ =	shalt  }
0x54: {  	_ =	shalt  }
0x55: {  	_ =	shalt  }
0x56: {  	_ =	shalt  }
0x57: {  	_ =	shalt  }
0x58: {  	_ =	shalt  }
0x59: {  	_ =	shalt  }
0x5a: {  	_ =	shalt  }
0x5b: {  	_ =	shalt  }
0x5c: {  	_ =	shalt  }
0x5d: {  	_ =	shalt  }
0x5e: {  	_ =	shalt  }
0x5f: {  	_ =	shalt  }
0x60: {  	_ =	shalt  }
0x61: {  	_ =	shalt  }
0x62: {  	_ =	shalt  }
0x63: {  	_ =	shalt  }
0x64: {  	_ =	shalt  }
0x65: {  	_ =	shalt  }
0x66: {  	_ =	shalt  }
0x67: {  	_ =	shalt  }
0x68: {  	_ =	shalt  }
0x69: {  	_ =	shalt  }
0x6a: {  	_ =	shalt  }
0x6b: {  	_ =	shalt  }
0x6c: {  	_ =	shalt  }
0x6d: {  	_ =	shalt  }
0x6e: {  	_ =	shalt  }
0x6f: {  	_ =	shalt  }
0x70: {  	_ =	shalt  }
0x71: {  	_ =	shalt  }
0x72: {  	_ =	shalt  }
0x73: {  	_ =	shalt  }
0x74: {  	_ =	shalt  }
0x75: {  	_ =	shalt  }
0x76: {  	_ =	shalt  }
0x77: {  	_ =	shalt  }
0x78: {  	_ =	shalt  }
0x79: {  	_ =	shalt  }
0x7a: {  	_ =	shalt  }
0x7b: {  	_ =	shalt  }
0x7c: {  	_ =	shalt  }
0x7d: {  	_ =	shalt  }
0x7e: {  	_ =	shalt  }
0x7f: {  	_ =	shalt  }
0x80: {  	_ =	shalt  }
0x81: {  	_ =	shalt  }
0x82: {  	_ =	shalt  }
0x83: {  	_ =	shalt  }
0x84: {  	_ =	shalt  }
0x85: {  	_ =	shalt  }
0x86: {  	_ =	shalt  }
0x87: {  	_ =	shalt  }
.Lfunc_end0:
.L_simem_size_0:
called_computation_lowered:
.L_overlay_start_0:
0x88: {  	s2 =	sld [smem:$0x3FD9]  }
0x89: {  	s3 =	sld [smem:$0x3FFE];
	_ =	sdelay $0x1  }
0x8a: {  	s1 =	srdreg.scid  }
0x8b: {  	s0 =	sand.u32 $0x1, s1  }
0x8c: {  	s16 =	sshll.u32 s0, $0xA;
	s2 =	sadd.s32 s3, s2  }
0x8d: {  	s2 =	sadd.s32 s2, s16  }
0x8e: {  	[smem:$0x3FC0] =	sst s2  }
0x8f: {  	_ = 	snop  }
0x90: {  	(tm) =	ssettm $0x1  }
0x91: {  	s17 =	sld [smem:$0x3FFB];
	_ =	sdelay $0x3  }
0x92: {  	_ =	strace s17  }
0x93: {  	s2 =	sld [smem:$0x3FFC];
	_ =	sdelay $0x3  }
0x94: {  	_ =	strace s2  }
0x95: {  	s2 =	sld [smem:$0x3FFD];
	_ =	sdelay $0x3  }
0x96: {  	_ =	strace s2  }
0x97: {  	_ =	strace $0x8FFFFFFF  }
0x98: {  	s18 =	sld [smem:$0x3FDB];
	_ =	sdelay $0x1  }
0x99: {  	s19 =	simm.s32 $_scs_section_size  }
0x9a: {  	s4 =	simm.s32 $_size__tile_overlayer_lowered;
	s5 =	simm.s32 $_tile_overlayer_lowered  }
0x9b: {  	s22 =	simm.s32 $0x1BFF;
	s21 =	sshll.u32 s5, $0x1;
	s2 =	sadd.s32 s19, s18  }
0x9c: {  	s6 =	simm.s32 $0x0;
	s20 =	sshll.u32 s4, $0x1;
	s4 =	sadd.s32 s21, s2  }
0x9d: {  	[timem:s6], [sflag:s22] =	dma.local [hbm:s4], s20  }
0x9e: {  	_ =	swait.ge [sflag:s22], s20  }
0x9f: {  	s3 =	ssub.s32 $0x0, s20;
	[sflag:s22] =	ssyncset.done $0x0  }
0xa0: {  	[sflag:s22] =	ssyncadd.s32 s3;
	_ =	sdelay $0x1  }
0xa1: {  	s23 =	simm.s32 $0x1B8B  }
0xa2: {  	_ =	swait.ge [sflag:s23], $0x1  }
0xa3: {  	[sflag:s23] =	ssyncset.done $0x0  }
0xa4: {  	s25 =	simm.s32 $0x1B8E;
	s24 =	sld [smem:$0x3FFE];
	[sflag:s23] =	ssyncadd.s32 $0xFFFFFFFF  }
0xa5: {  	s26 =	simm.s32 $execute0_lowered;
	[smem:$0x3FD2] =	sst s25  }
0xa6: {  	s4 =	sshll.u32 s26, $0x1;
	_ =	strace $0x80000046;
	[dreg:$0x1] =	wrdreg $0xFFFFFFFF  }
0xa7: {  	s28 =	simm.s32 $_size_execute0_lowered;
	s2 =	sadd.s32 s2, s4;
	[dreg:$0x0] =	wrdreg $0x0  }
0xa8: {  	s4 =	sshll.u32 s28, $0x1;
	[dreg:$0x2] =	wrdreg s2  }
0xa9: {  	[dreg:$0x3] =	wrdreg s4  }
0xaa: {  	[dreg:$0x4] =	wrdreg $0xC0  }
0xab: {  	_ =	task [dreg:s6], $0x5FFFF  }
0xac: {  	[dreg:$0x1] =	wrdreg $0xFFFFFFFF  }
0xad: {  	[dreg:$0x0] =	wrdreg $0x60  }
0xae: {  	[dreg:$0x2] =	wrdreg s24  }
0xaf: {  	[dreg:$0x3] =	wrdreg $0x9  }
0xb0: {  	_ =	task.clear_ibuf [dreg:s6], $0x4FFFF;
	_ =	strace $0x90000046  }
0xb1: {  	s29 =	simm.s32 $0x9;
	_ =	strace $0x80000048  }
0xb2: {  	_ =	swait.ge [sflag:s29], $0x1  }
0xb3: {  	[sflag:s29] =	ssyncadd.s32 $0xFFFFFFFF  }
0xb4: {  	_ =	strace $0x90000048  }
0xb5: {  	_ =	sfence  }
0xb6: {  	s30 =	sld [smem:$0x0];
	_ =	sdelay $0x2  }
0xb7: {  	s31 =	sshll.u32 s1, $0xD;
	s1 =	sshrl.u32 s1, $0x2  }
0xb8: {  	s3 =	sand.u32 $0x4000, s31;
	s1 =	sadd.s32 s1, s30  }
0xb9: {  	s0 =	sor.u32 s3, s0;
	s1 =	sshll.u32 s1, $0x11  }
0xba: {  	s0 =	sor.u32 s1, s0  }
0xbb: {  	s0 =	sadd.s32 $0x8F2B, s0  }
0xbc: {  	[sflag:s0] =	ssyncadd.remote.s32 $0x1  }
0xbd: {  	_ =	sfence.sel $0xFFFF  }
0xbe: {  	[dreg:$0x0] =	wrdreg $0xFFFFFFFF;
	(pc) =	sbr.abs _section_cstart, $3  }
0xbf: {  	[dreg:$0x1] =	wrdreg $0xFFFFFFFF  }
0xc0: {  	_ =	task.clear_ibuf [dreg:s6], $0x2FFFF;
	_ =	strace $0x9FFFFFFF  }
0xc1: {  	(tm) =	ssettm $0x7FFFFFFF  }
tec
execute0_lowered:
.L_overlay_start_1:
0x0: {  	(tag) =	ssettag $0x1  }
0x1: {  	s0 =	srdreg.scid  }
0x2: {  	s3 =	stileid.u32;
	s4 =	rddreg [dreg:$0x0];
	s2 =	simm.s32 $0x0  }
0x3: {  	s28 =	simm.s32 $0x2;
	s29 =	simm.s32 $0x0;
	s0 =	sand.u32 $0x1, s0  }
0x4: {  	[smem:$0x7FF] =	sst s2;
	s17 =	sadd.s32 $0x1000, s4;
	s1 =	sor.u32 s0, s3  }
0x5: {  	p1 =	seq.s32 s0, $0x1;
	s6 =	sshll.u32 s0, $0xE;
	p0 =	seq.s32 s1, $0x0  }
0x6: {  	s23 =	sshll.u32 s0, $0xD;
	s0 =	ssub.s32 $0x2, s0;
	p0 =	por !p0, !p1  }
0x7: {  	s1 =	simm.s32 $0x1;
	s26 =	sshrl.u32 s0, $0x1;
	p0 =	por !p0, !p0  }
0x8: {  	_ =	strace $0x80000047;
	s0 =	ssub.s32 s0, s26;
	s1 =	simm.s32 @!p0 $0x0  }
0x9: {  	s26 =	simm.s32 $0x4C00;
	s20 =	smax.u32 s0, $0x1;
	s1 =	ssub.s32 s3, s1  }
0xa: {  	s0 =	simm.s32 $0x2C00;
	s3 =	simm.s32 $0x1;
	s5 =	smul.u32 $0x1400, s1  }
0xb: {  	s7 =	sshll.u32 s1, $0xA;
	s22 =	sshll.u32 s1, $0xB;
	s1 =	sshll.u32 s1, $0x7  }
0xc: {  	s21 =	sadd.s32 s6, s7;
	s6 =	sand.u32 $0xFFFFC000, s22;
	s1 =	sand.u32 $0x380, s1  }
0xd: {  	s22 =	simm.s32 $0x400;
	s5 =	sshrl.u32 s5, $0x3;
	s8 =	sor.u32 s23, s6  }
0xe: {  	s24 =	sor.u32 s23, s1;
	s23 =	simm.s32 $0x3000;
	s18 =	sadd.s32 s5, s4  }
0xf: {  	s5 =	sshrl.u32 s21, $0x3;
	s1 =	sor.u32 s1, s8;
	s21 =	simm.s32 $0x80  }
0x10: {  	s19 =	sadd.s32 s5, s4;
	s4 =	sor.u32 s6, s24;
	s25 =	sadd.s32 $0x8000, s1  }
0x11: {  	s30 =	sadd.s32 $0x10000, s1;
	s31 =	sadd.s32 $0x18000, s1;
	s8 =	sadd.s32 $0x20000, s1  }
0x12: {  	s9 =	sadd.s32 $0x28000, s1;
	s10 =	sadd.s32 $0x30000, s1;
	s11 =	sadd.s32 $0x38000, s1  }
0x13: {  	s12 =	sadd.s32 $0x40000, s1;
	s13 =	sadd.s32 $0x48000, s1;
	s14 =	sadd.s32 $0x50000, s1  }
0x14: {  	s15 =	sadd.s32 $0x58000, s1;
	s16 =	sadd.s32 $0x60000, s1;
	s1 =	sadd.s32 $0x68000, s1  }
0x15: {  	s18 =	sadd.s32 $0xF000, s18;
	s24 =	simm.s32 $0x3400;
	s4 =	sshrl.u32 s4, $0x3  }
0x16: {  	s5 =	sshrl.u32 s25, $0x3;
	s6 =	sshrl.u32 s30, $0x3;
	s7 =	sshrl.u32 s31, $0x3  }
0x17: {  	s8 =	sshrl.u32 s8, $0x3;
	s9 =	sshrl.u32 s9, $0x3;
	s10 =	sshrl.u32 s10, $0x3  }
0x18: {  	s11 =	sshrl.u32 s11, $0x3;
	s12 =	sshrl.u32 s12, $0x3;
	s13 =	sshrl.u32 s13, $0x3  }
0x19: {  	s14 =	sshrl.u32 s14, $0x3;
	s15 =	sshrl.u32 s15, $0x3;
	s16 =	sshrl.u32 s16, $0x3  }
0x1a: {  	s1 =	sshrl.u32 s1, $0x3;
	s19 =	sadd.s32 $0x11800, s19;
	s25 =	simm.s32 $0x3800  }
0x1b: {  	s4 =	sadd.s32 s17, s4;
	s5 =	sadd.s32 s17, s5;
	s6 =	sadd.s32 s17, s6  }
0x1c: {  	s7 =	sadd.s32 s17, s7;
	s8 =	sadd.s32 s17, s8;
	s9 =	sadd.s32 s17, s9  }
0x1d: {  	s10 =	sadd.s32 s17, s10;
	s11 =	sadd.s32 s17, s11;
	s12 =	sadd.s32 s17, s12  }
0x1e: {  	s13 =	sadd.s32 s17, s13;
	s14 =	sadd.s32 s17, s14;
	s15 =	sadd.s32 s17, s15  }
0x1f: {  	v0 =	vimm.f32 $0.0e+00;
	vm0 =	vmmov $0xffff;
	s16 =	sadd.s32 s17, s16;
	s17 =	sadd.s32 s17, s1;
	s1 =	simm.s32 $0x2800  }
.LBB2_1:
0x20: {  	[tilespmem:s2], [sflag:$0x1] =	stream.strided.gather [hbm4b:s4+s21], $0x400, s22, s21, $0x38;
	[tilespmem:$0x5000] =	vst v63  }
0x21: {  	_ = 	snop  }
0x22: {  	[tilespmem:s22], [sflag:$0x1] =	stream.strided.gather [hbm4b:s5+s21], $0x400, s22, s21, $0x38;
	[tilespmem:$0x5000] =	vst v63  }
0x23: {  	s30 =	simm.s32 $0x800  }
0x24: {  	[tilespmem:s30], [sflag:$0x1] =	stream.strided.gather [hbm4b:s6+s21], $0x400, s22, s21, $0x38;
	[tilespmem:$0x5000] =	vst v63  }
0x25: {  	s30 =	simm.s32 $0xC00  }
0x26: {  	[tilespmem:s30], [sflag:$0x1] =	stream.strided.gather [hbm4b:s7+s21], $0x400, s22, s21, $0x38;
	[tilespmem:$0x5000] =	vst v63  }
0x27: {  	s30 =	simm.s32 $0x1000  }
0x28: {  	[tilespmem:s30], [sflag:$0x1] =	stream.strided.gather [hbm4b:s8+s21], $0x400, s22, s21, $0x38;
	[tilespmem:$0x5000] =	vst v63  }
0x29: {  	s30 =	simm.s32 $0x1400  }
0x2a: {  	[tilespmem:s30], [sflag:$0x1] =	stream.strided.gather [hbm4b:s9+s21], $0x400, s22, s21, $0x38;
	[tilespmem:$0x5000] =	vst v63  }
0x2b: {  	s30 =	simm.s32 $0x1800  }
0x2c: {  	[tilespmem:s30], [sflag:$0x1] =	stream.strided.gather [hbm4b:s10+s21], $0x400, s22, s21, $0x38;
	[tilespmem:$0x5000] =	vst v63  }
0x2d: {  	s30 =	simm.s32 $0x1C00  }
0x2e: {  	[tilespmem:s30], [sflag:$0x1] =	stream.strided.gather [hbm4b:s11+s21], $0x400, s22, s21, $0x38;
	[tilespmem:$0x5000] =	vst v63  }
0x2f: {  	s30 =	simm.s32 $0x2000  }
0x30: {  	[tilespmem:s30], [sflag:$0x1] =	stream.strided.gather [hbm4b:s12+s21], $0x400, s22, s21, $0x38;
	[tilespmem:$0x5000] =	vst v63  }
0x31: {  	s30 =	simm.s32 $0x2400  }
0x32: {  	[tilespmem:s30], [sflag:$0x1] =	stream.strided.gather [hbm4b:s13+s21], $0x400, s22, s21, $0x38;
	[tilespmem:$0x5000] =	vst v63  }
0x33: {  	_ = 	snop  }
0x34: {  	[tilespmem:s1], [sflag:$0x1] =	stream.strided.gather [hbm4b:s14+s21], $0x400, s22, s21, $0x38;
	[tilespmem:$0x5000] =	vst v63  }
0x35: {  	_ = 	snop  }
0x36: {  	[tilespmem:s0], [sflag:$0x1] =	stream.strided.gather [hbm4b:s15+s21], $0x400, s22, s21, $0x38;
	[tilespmem:$0x5000] =	vst v63  }
0x37: {  	_ = 	snop  }
0x38: {  	[tilespmem:s23], [sflag:$0x1] =	stream.strided.gather [hbm4b:s16+s21], $0x400, s22, s21, $0x38;
	[tilespmem:$0x5000] =	vst v63  }
0x39: {  	_ = 	snop  }
0x3a: {  	[tilespmem:s24], [sflag:$0x1] =	stream.strided.gather [hbm4b:s17+s21], $0x400, s22, s21, $0x38;
	[tilespmem:$0x5000] =	vst v63  }
0x3b: {  	_ = 	snop  }
0x3c: {  	[tilespmem:s25], [sflag:$0x1] =	stream.linear.gather [hbm4b:s18+s2], $0x1200, $0x38;
	[tilespmem:$0x5000] =	vst v63  }
0x3d: {  	_ =	swait.ge [sflag:s3], $0x400  }
0x3e: {  	[sflag:s3] =	ssyncset.done $0x0  }
0x3f: {  	[sflag:s3] =	ssyncadd.s32 $0xFFFFFC00  }
0x40: {  	_ =	swait.ge [sflag:s3], $0x400  }
0x41: {  	[sflag:s3] =	ssyncset.done $0x0  }
0x42: {  	[sflag:s3] =	ssyncadd.s32 $0xFFFFFC00  }
0x43: {  	_ =	swait.ge [sflag:s3], $0x400  }
0x44: {  	[sflag:s3] =	ssyncset.done $0x0  }
0x45: {  	[sflag:s3] =	ssyncadd.s32 $0xFFFFFC00  }
0x46: {  	_ =	swait.ge [sflag:s3], $0x400  }
0x47: {  	[sflag:s3] =	ssyncset.done $0x0  }
0x48: {  	[sflag:s3] =	ssyncadd.s32 $0xFFFFFC00  }
0x49: {  	_ =	swait.ge [sflag:s3], $0x400  }
0x4a: {  	[sflag:s3] =	ssyncset.done $0x0  }
0x4b: {  	[sflag:s3] =	ssyncadd.s32 $0xFFFFFC00  }
0x4c: {  	_ =	swait.ge [sflag:s3], $0x400  }
0x4d: {  	[sflag:s3] =	ssyncset.done $0x0  }
0x4e: {  	[sflag:s3] =	ssyncadd.s32 $0xFFFFFC00  }
0x4f: {  	_ =	swait.ge [sflag:s3], $0x400  }
0x50: {  	[sflag:s3] =	ssyncset.done $0x0  }
0x51: {  	[sflag:s3] =	ssyncadd.s32 $0xFFFFFC00  }
0x52: {  	_ =	swait.ge [sflag:s3], $0x400  }
0x53: {  	[sflag:s3] =	ssyncset.done $0x0  }
0x54: {  	[sflag:s3] =	ssyncadd.s32 $0xFFFFFC00  }
0x55: {  	_ =	swait.ge [sflag:s3], $0x400  }
0x56: {  	[sflag:s3] =	ssyncset.done $0x0  }
0x57: {  	[sflag:s3] =	ssyncadd.s32 $0xFFFFFC00  }
0x58: {  	_ =	swait.ge [sflag:s3], $0x400  }
0x59: {  	[sflag:s3] =	ssyncset.done $0x0  }
0x5a: {  	[sflag:s3] =	ssyncadd.s32 $0xFFFFFC00  }
0x5b: {  	_ =	swait.ge [sflag:s3], $0x400  }
0x5c: {  	[sflag:s3] =	ssyncset.done $0x0  }
0x5d: {  	[sflag:s3] =	ssyncadd.s32 $0xFFFFFC00  }
0x5e: {  	_ =	swait.ge [sflag:s3], $0x400  }
0x5f: {  	[sflag:s3] =	ssyncset.done $0x0  }
0x60: {  	[sflag:s3] =	ssyncadd.s32 $0xFFFFFC00  }
0x61: {  	_ =	swait.ge [sflag:s3], $0x400  }
0x62: {  	[sflag:s3] =	ssyncset.done $0x0  }
0x63: {  	[sflag:s3] =	ssyncadd.s32 $0xFFFFFC00  }
0x64: {  	_ =	swait.ge [sflag:s3], $0x400  }
0x65: {  	[sflag:s3] =	ssyncset.done $0x0  }
0x66: {  	[sflag:s3] =	ssyncadd.s32 $0xFFFFFC00  }
0x67: {  	_ =	swait.ge [sflag:s3], $0x1200  }
0x68: {  	[sflag:s3] =	ssyncset.done $0x0  }
0x69: {  	[sflag:s3] =	ssyncadd.s32 $0xFFFFEE00  }
0x6a: {  	v4 =	vld [tilespmem:$0x4400]  }
0x6b: {  	v3 =	vld [tilespmem:$0x4480]  }
0x6c: {  	v2 =	vld [tilespmem:$0x4500]  }
0x6d: {  	v1 =	vld [tilespmem:$0x4580]  }
0x6e: {  	v15 =	vld [tilespmem:$0x3800]  }
0x6f: {  	v16 =	vld [tilespmem:$0x3880]  }
0x70: {  	v17 =	vld [tilespmem:$0x3900]  }
0x71: {  	s30 =	simm.s32 $0x0;
	v13 =	vld [tilespmem:$0x3980]  }
0x72: {  	v5 =	vld [tilespmem:s30+$0x0]  }
0x73: {  	v6 =	vld [tilespmem:s30+$0x400]  }
0x74: {  	v7 =	vld [tilespmem:s30+$0x800]  }
0x75: {  	v18 =	vld [tilespmem:$0x3A00]  }
0x76: {  	v19 =	vld [tilespmem:$0x3A80]  }
0x77: {  	v14 =	vld [tilespmem:$0x3B00]  }
0x78: {  	v20 =	vld [tilespmem:$0x3C00];
	vm1 =	veq.f32 v5, v5;
	vm2 =	veq.f32 v6, v6  }
0x79: {  	v8 =	vld [tilespmem:s30+$0xC00];
	vm1 =	vmor vm1, vm2;
	vm2 =	veq.f32 v7, v7  }
0x7a: {  	v9 =	vld [tilespmem:s30+$0x1000];
	vm1 =	vmor vm1, vm2  }
0x7b: {  	v23 =	vld [tilespmem:$0x3C80];
	vm2 =	vmand vm1, vm0  }
0x7c: {  	v21 =	vld [tilespmem:$0x3B80];
	v25 =	vnsel vm2, $0x0, v7  }
0x7d: {  	v22 =	vld [tilespmem:$0x3D00];
	v12 =	vnsel vm2, $0x0, v5;
	v26 =	vnsel vm2, $0x0, v6;
	v10 =	vmul.f32 v25, v17  }
0x7e: {  	v11 =	vld [tilespmem:s30+$0x1400];
	v5 =	vnsel vm2, $0x0, v8;
	v8 =	vmul.f32 v12, v15;
	v27 =	vmul.f32 v26, v16  }
0x7f: {  	v24 =	vld [tilespmem:$0x3D80];
	v9 =	vnsel vm2, $0x0, v9;
	v28 =	vmul.f32 v12, v18;
	v29 =	vmul.f32 v26, v19  }
0x80: {  	v6 =	vld [tilespmem:$0x4600];
	v30 =	vsub.f32 v13, v5;
	v5 =	vmul.f32 v12, v20;
	v31 =	vmul.f32 v26, v23  }
0x81: {  	v7 =	vld [tilespmem:$0x4680];
	v27 =	vadd.f32 v27, v8;
	v28 =	vadd.f32 v29, v28;
	v29 =	vmul.f32 v25, v14  }
0x82: {  	v35 =	vld [tilespmem:s30+$0x1800];
	v32 =	vsub.f32 v21, v9;
	v33 =	vmul.f32 v25, v22;
	v31 =	vadd.f32 v31, v5  }
0x83: {  	v11 =	vnsel vm2, $0x0, v11;
	v9 =	vld [tilespmem:$0x4800];
	v27 =	vadd.f32 v27, v10;
	v28 =	vadd.f32 v28, v29  }
0x84: {  	v41 =	vmul.f32 v12, v4;
	v8 =	vld [tilespmem:$0x4700];
	v29 =	vadd.f32 v31, v33;
	v31 =	vsub.f32 v24, v11  }
0x85: {  	s30 =	simm.s32 $0x10;
	v10 =	vld [tilespmem:$0x4880];
	v42 =	vmul.f32 v12, v6;
	v27 =	vadd.f32 v27, v30;
	v28 =	vadd.f32 v28, v32  }
0x86: {  	v43 =	vld [tilespmem:s30+$0x0];
	v34 =	vmul.f32 v26, v7;
	v30 =	vmul.f32 v26, v3  }
0x87: {  	v11 =	vld [tilespmem:$0x4900];
	v29 =	vadd.f32 v29, v31;
	v27 =	vmul.f32 v27, v27;
	v28 =	vmul.f32 v28, v28  }
0x88: {  	v5 =	vld [tilespmem:$0x4780];
	v31 =	vmul.f32 v25, v2;
	v32 =	vadd.f32 v34, v42;
	v30 =	vadd.f32 v30, v41  }
0x89: {  	v44 =	vmul.f32 v25, v8;
	v27 =	vadd.f32 v28, v27;
	v28 =	vmul.f32 v29, v29;
	v29 =	vld [tilespmem:s30+$0x400]  }
0x8a: {  	v36 =	vld [tilespmem:s30+$0x800];
	v26 =	vmul.f32 v26, v10;
	v30 =	vadd.f32 v30, v31;
	v31 =	vmul.f32 v12, v9  }
0x8b: {  	vm1 =	veq.f32 v43, v43;
	v37 =	vsel vm2, $0x3F800000, v0;
	v32 =	vadd.f32 v32, v44;
	v12 =	vld [tilespmem:$0x4980]  }
0x8c: {  	v25 =	vmul.f32 v25, v11;
	v27 =	vadd.f32 v27, v28;
	v26 =	vadd.f32 v26, v31  }
0x8d: {  	v28 =	vnsel vm2, $0x0, v35;
	v30 =	vadd.f32 v30, v1;
	v31 =	vadd.f32 v32, v5  }
0x8e: {  	v27 =	vmul.f32 v27, v28;
	v26 =	vadd.f32 v26, v25;
	vm3 =	veq.f32 v29, v29  }
0x8f: {  	v28 =	vmul.f32 v30, v30;
	v30 =	vld [tilespmem:s30+$0xC00];
	vm1 =	vmor vm1, vm3;
	vm3 =	veq.f32 v36, v36  }
0x90: {  	v45 =	vld [tilespmem:s30+$0x1000];
	v25 =	vadd.f32 v27, v0;
	v27 =	vmul.f32 v31, v31;
	v31 =	vadd.f32 v26, v12  }
0x91: {  	v38 =	vld [tilespmem:s30+$0x1400];
	vm2 =	vmmov vm2;
	v26 =	vadd.f32 v37, v0;
	vm1 =	vmor vm1, vm3  }
0x92: {  	vm1 =	vmand vm1, vm0;
	v28 =	vadd.f32 v27, v28;
	v31 =	vmul.f32 v31, v31  }
0x93: {  	v46 =	vnsel vm1, $0x0, v36;
	v47 =	vnsel vm1, $0x0, v43;
	v48 =	vnsel vm1, $0x0, v29  }
0x94: {  	v27 =	vsel vm1, $0x3F800000, v0;
	v30 =	vnsel vm1, $0x0, v30;
	v29 =	vmul.f32 v46, v17  }
0x95: {  	v32 =	vnsel vm1, $0x0, v45;
	v33 =	vmul.f32 v47, v15;
	v49 =	vmul.f32 v48, v16  }
0x96: {  	v54 =	vnsel vm1, $0x0, v38;
	v39 =	vmul.f32 v47, v18;
	v40 =	vmul.f32 v48, v19  }
0x97: {  	v30 =	vsub.f32 v13, v30;
	v41 =	vmul.f32 v47, v20;
	v42 =	vmul.f32 v48, v23  }
0x98: {  	v51 =	vmul.f32 v46, v14;
	v33 =	vadd.f32 v49, v33;
	v50 =	vadd.f32 v40, v39  }
0x99: {  	v53 =	vmul.f32 v46, v22;
	v32 =	vsub.f32 v21, v32;
	v52 =	vadd.f32 v42, v41  }
0x9a: {  	v56 =	vmul.f32 v47, v4;
	v29 =	vadd.f32 v33, v29;
	v34 =	vadd.f32 v50, v51  }
0x9b: {  	v57 =	vmul.f32 v48, v3;
	v55 =	vadd.f32 v52, v53;
	v33 =	vsub.f32 v24, v54  }
0x9c: {  	v58 =	vmul.f32 v47, v6;
	v29 =	vadd.f32 v29, v30;
	v30 =	vadd.f32 v34, v32  }
0x9d: {  	v59 =	vmul.f32 v48, v7;
	v61 =	vmul.f32 v46, v2;
	v39 =	vadd.f32 v57, v56  }
0x9e: {  	v38 =	vadd.f32 v55, v33;
	v33 =	vld [tilespmem:s30+$0x1800];
	v60 =	vmul.f32 v29, v29;
	v30 =	vmul.f32 v30, v30  }
0x9f: {  	v36 =	vmul.f32 v47, v9;
	v32 =	vadd.f32 v28, v31;
	s30 =	simm.s32 $0x20;
	v28 =	vadd.f32 v59, v58  }
0xa0: {  	v31 =	vmul.f32 v46, v8;
	v29 =	vld [tilespmem:s30+$0x0];
	v63 =	vmul.f32 v38, v38;
	v62 =	vadd.f32 v30, v60  }
0xa1: {  	v37 =	vmul.f32 v48, v10;
	v35 =	vmul.f32 v46, v11;
	v34 =	vadd.f32 v39, v61;
	v30 =	vld [tilespmem:s30+$0x400]  }
0xa2: {  	s31 =	simm.s32 $0xC0;
	v38 =	vadd.f32 v28, v31;
	v31 =	vld [tilespmem:s30+$0x800];
	v28 =	vimm.f32 $0.0e+00;
	v39 =	vadd.f32 v62, v63  }
.LBB2_2:
0xa3: {  	p0 =	sne.s32 s31, $0xFC0;
	v33 =	vnsel vm1, $0x0, v33;
	v34 =	vadd.f32 v34, v1;
	v36 =	vadd.f32 v37, v36  }
0xa4: {  	v32 =	vnsel vm2, $0x0, v32;
	v37 =	vadd.f32 v38, v5;
	v33 =	vmul.f32 v39, v33  }
0xa5: {  	v28 =	vadd.f32 v32, v28;
	v35 =	vadd.f32 v36, v35;
	v34 =	vmul.f32 v34, v34  }
0xa6: {  	vm2 =	veq.f32 v29, v29;
	vm3 =	veq.f32 v30, v30;
	v25 =	vadd.f32 v33, v25  }
0xa7: {  	v33 =	vmul.f32 v37, v37;
	v32 =	vld [tilespmem:s30+$0xC00];
	vm2 =	vmor vm2, vm3;
	vm3 =	veq.f32 v31, v31  }
0xa8: {  	v26 =	vadd.f32 v27, v26;
	v35 =	vadd.f32 v35, v12;
	v36 =	vld [tilespmem:s30+$0x1000];
	vm3 =	vmor vm2, vm3  }
0xa9: {  	v33 =	vadd.f32 v33, v34;
	vm2 =	vmmov vm1;
	vm1 =	vmand vm3, vm0  }
0xaa: {  	v39 =	vnsel vm1, $0x0, v31;
	v27 =	vsel vm1, $0x3F800000, v0;
	v31 =	vmul.f32 v35, v35  }
0xab: {  	v35 =	vnsel vm1, $0x0, v29;
	v37 =	vnsel vm1, $0x0, v30;
	v29 =	vmul.f32 v39, v17  }
0xac: {  	v34 =	vmul.f32 v35, v15;
	v38 =	vmul.f32 v37, v16;
	v30 =	vld [tilespmem:s30+$0x1400];
	v32 =	vnsel vm1, $0x0, v32  }
0xad: {  	v40 =	vmul.f32 v35, v18;
	v41 =	vmul.f32 v37, v19;
	v36 =	vnsel vm1, $0x0, v36  }
0xae: {  	v42 =	vmul.f32 v35, v20;
	v43 =	vmul.f32 v37, v23;
	v32 =	vsub.f32 v13, v32  }
0xaf: {  	v34 =	vadd.f32 v38, v34;
	v38 =	vadd.f32 v41, v40;
	v40 =	vmul.f32 v39, v14  }
0xb0: {  	v41 =	vadd.f32 v43, v42;
	v42 =	vmul.f32 v39, v22;
	v36 =	vsub.f32 v21, v36  }
0xb1: {  	v29 =	vadd.f32 v34, v29;
	v34 =	vadd.f32 v38, v40;
	v30 =	vnsel vm1, $0x0, v30  }
0xb2: {  	v38 =	vadd.f32 v41, v42;
	v40 =	vmul.f32 v35, v4;
	v30 =	vsub.f32 v24, v30  }
0xb3: {  	v29 =	vadd.f32 v29, v32;
	v34 =	vadd.f32 v34, v36;
	v36 =	vmul.f32 v37, v3  }
0xb4: {  	v41 =	vmul.f32 v35, v6;
	v42 =	vmul.f32 v37, v7;
	v32 =	vadd.f32 v33, v31  }
.Ltmp0:
0xb5: {  	v31 =	vmul.f32 v29, v29;
	v34 =	vmul.f32 v34, v34;
	v30 =	vadd.f32 v38, v30;
	v33 =	vld [tilespmem:s30+$0x1800];
	(pc) =	sbr.rel @p0 .LBB2_2-.Ltmp0, $4  }
0xb6: {  	v36 =	vadd.f32 v36, v40;
	v40 =	vadd.f32 v42, v41;
	v38 =	vmul.f32 v39, v2;
	s30 =	sshra.s32 s31, $0x2  }
0xb7: {  	v41 =	vmul.f32 v39, v8;
	v42 =	vadd.f32 v34, v31;
	v43 =	vmul.f32 v30, v30;
	v29 =	vld [tilespmem:s30+$0x0]  }
0xb8: {  	v37 =	vmul.f32 v37, v10;
	v34 =	vadd.f32 v36, v38;
	v36 =	vmul.f32 v35, v9;
	v30 =	vld [tilespmem:s30+$0x400]  }
0xb9: {  	s31 =	sadd.s32 $0x40, s31;
	v38 =	vadd.f32 v40, v41;
	v35 =	vmul.f32 v39, v11;
	v39 =	vadd.f32 v42, v43;
	v31 =	vld [tilespmem:s30+$0x800]  }
0xba: {  	v33 =	vnsel vm1, $0x0, v33  }
0xbb: {  	v34 =	vadd.f32 v34, v1;
	v36 =	vadd.f32 v37, v36;
	v32 =	vnsel vm2, $0x0, v32  }
0xbc: {  	v26 =	vadd.f32 v27, v26;
	vm1 =	vmmov vm1;
	v46 =	vadd.f32 v38, v5  }
0xbd: {  	v33 =	vmul.f32 v39, v33;
	vm2 =	veq.f32 v29, v29;
	vm3 =	veq.f32 v30, v30  }
0xbe: {  	v47 =	vld [tilespmem:s30+$0xC00];
	v28 =	vadd.f32 v32, v28;
	vm2 =	vmor vm2, vm3;
	vm3 =	veq.f32 v31, v31  }
0xbf: {  	v49 =	vld [tilespmem:s30+$0x1000];
	v35 =	vadd.f32 v36, v35;
	v34 =	vmul.f32 v34, v34;
	vm2 =	vmor vm2, vm3  }
0xc0: {  	v25 =	vadd.f32 v33, v25;
	v48 =	vmul.f32 v46, v46;
	vm2 =	vmand vm2, vm0  }
0xc1: {  	v35 =	vadd.f32 v35, v12;
	v27 =	vnsel vm2, $0x0, v31;
	v29 =	vnsel vm2, $0x0, v29  }
0xc2: {  	v30 =	vnsel vm2, $0x0, v30;
	v31 =	vadd.f32 v48, v34;
	v17 =	vmul.f32 v27, v17  }
0xc3: {  	v32 =	vnsel vm2, $0x0, v47;
	v15 =	vmul.f32 v29, v15;
	v16 =	vmul.f32 v30, v16  }
0xc4: {  	v50 =	vld [tilespmem:s30+$0x1400];
	v51 =	vnsel vm2, $0x0, v49;
	v18 =	vmul.f32 v29, v18;
	v19 =	vmul.f32 v30, v19  }
0xc5: {  	v13 =	vsub.f32 v13, v32;
	v20 =	vmul.f32 v29, v20;
	v23 =	vmul.f32 v30, v23  }
0xc6: {  	v14 =	vmul.f32 v27, v14;
	v15 =	vadd.f32 v16, v15;
	v16 =	vadd.f32 v19, v18  }
0xc7: {  	v18 =	vadd.f32 v23, v20;
	v19 =	vmul.f32 v27, v22;
	v20 =	vsub.f32 v21, v51  }
0xc8: {  	v21 =	vmul.f32 v29, v6;
	v22 =	vmul.f32 v30, v7;
	v15 =	vadd.f32 v15, v17  }
0xc9: {  	v17 =	vnsel vm2, $0x0, v50;
	v14 =	vadd.f32 v16, v14;
	v18 =	vadd.f32 v18, v19  }
0xca: {  	v16 =	vmul.f32 v29, v4;
	v19 =	vmul.f32 v30, v3;
	v21 =	vadd.f32 v22, v21  }
0xcb: {  	v22 =	vmul.f32 v27, v8;
	v17 =	vsub.f32 v24, v17;
	v13 =	vadd.f32 v15, v13  }
0xcc: {  	v23 =	vld [tilespmem:s30+$0x1800];
	s30 =	simm.s32 $0x0;
	v14 =	vadd.f32 v14, v20;
	v19 =	vadd.f32 v19, v16;
	v20 =	vmul.f32 v27, v2  }
0xcd: {  	v52 =	vld [tilespmem:s30+$0x2400];
	v29 =	vmul.f32 v29, v9;
	v30 =	vmul.f32 v30, v10;
	v24 =	vadd.f32 v18, v17  }
0xce: {  	v53 =	vld [tilespmem:s30+$0x2800];
	v13 =	vmul.f32 v13, v13;
	v19 =	vadd.f32 v19, v20;
	v20 =	vadd.f32 v21, v22  }
0xcf: {  	v14 =	vmul.f32 v14, v14;
	v21 =	vmul.f32 v27, v11;
	v22 =	vadd.f32 v30, v29;
	v27 =	vld [tilespmem:s30+$0x1C00]  }
0xd0: {  	v29 =	vmul.f32 v35, v35;
	v30 =	vld [tilespmem:s30+$0x2000];
	v19 =	vadd.f32 v19, v1;
	v20 =	vadd.f32 v20, v5  }
0xd1: {  	v55 =	vld [tilespmem:s30+$0x3000];
	v13 =	vadd.f32 v14, v13;
	v14 =	vmul.f32 v24, v24;
	v21 =	vadd.f32 v22, v21  }
0xd2: {  	v48 =	vld [tilespmem:s30+$0x3400];
	v23 =	vnsel vm2, $0x0, v23;
	v22 =	vadd.f32 v31, v29;
	v24 =	vmul.f32 v19, v19  }
0xd3: {  	v15 =	vld [tilespmem:$0x3E00];
	v20 =	vmul.f32 v20, v20;
	v13 =	vadd.f32 v13, v14;
	v14 =	vadd.f32 v21, v12  }
0xd4: {  	v16 =	vld [tilespmem:$0x3E80];
	v29 =	vsel vm2, $0x3F800000, v0;
	v31 =	vnsel vm1, $0x0, v22;
	vm1 =	veq.f32 v27, v27  }
0xd5: {  	v18 =	vld [tilespmem:$0x3F00];
	vm3 =	veq.f32 v30, v30;
	v24 =	vadd.f32 v20, v24;
	v14 =	vmul.f32 v14, v14  }
0xd6: {  	v19 =	vld [tilespmem:$0x4000];
	v13 =	vmul.f32 v13, v23;
	vm1 =	vmor vm1, vm3;
	vm3 =	veq.f32 v52, v52  }
0xd7: {  	v21 =	vld [tilespmem:$0x4080];
	v28 =	vadd.f32 v31, v28;
	vm1 =	vmor vm1, vm3;
	vm3 =	vmmov vm2  }
0xd8: {  	v22 =	vld [tilespmem:$0x4200];
	v23 =	vadd.f32 v24, v14;
	v13 =	vadd.f32 v13, v25;
	vm2 =	vmand vm1, vm0  }
0xd9: {  	v31 =	vld [tilespmem:s30+$0x2C00];
	v14 =	vadd.f32 v29, v26;
	v32 =	vnsel vm2, $0x0, v52;
	v27 =	vnsel vm2, $0x0, v27  }
0xda: {  	v17 =	vld [tilespmem:$0x3F80];
	v30 =	vnsel vm2, $0x0, v30;
	v33 =	vnsel vm2, $0x0, v53;
	v54 =	vmul.f32 v32, v18  }
0xdb: {  	s30 =	simm.s32 $0x10;
	v20 =	vld [tilespmem:$0x4100];
	v35 =	vnsel vm2, $0x0, v55;
	v56 =	vmul.f32 v27, v15;
	v57 =	vmul.f32 v30, v16  }
0xdc: {  	v50 =	vld [tilespmem:s30+$0x1C00];
	v55 =	vnsel vm2, $0x0, v48;
	v58 =	vmul.f32 v27, v19;
	v59 =	vmul.f32 v30, v21  }
0xdd: {  	v24 =	vld [tilespmem:$0x4280];
	v29 =	vnsel vm3, $0x0, v23;
	v40 =	vmul.f32 v27, v22;
	v45 =	vmul.f32 v27, v4  }
0xde: {  	v26 =	vld [tilespmem:$0x4380];
	v31 =	vnsel vm2, $0x0, v31;
	v46 =	vmul.f32 v30, v3;
	v47 =	vmul.f32 v30, v7  }
0xdf: {  	v33 =	vsub.f32 v17, v33;
	v49 =	vmul.f32 v32, v2;
	v51 =	vmul.f32 v32, v8  }
0xe0: {  	v23 =	vld [tilespmem:$0x4180];
	v61 =	vmul.f32 v32, v20;
	v29 =	vadd.f32 v29, v28;
	v28 =	vmul.f32 v27, v6  }
0xe1: {  	v25 =	vld [tilespmem:$0x4300];
	v27 =	vmul.f32 v27, v9;
	vm1 =	veq.f32 v50, v50;
	v36 =	vadd.f32 v57, v56  }
0xe2: {  	v60 =	vadd.f32 v59, v58;
	v56 =	vimm.f32 $0.0e+00;
	v57 =	vsel vm2, $0x3F800000, v0  }
0xe3: {  	v53 =	vld [tilespmem:s30+$0x2000];
	v41 =	vmul.f32 v30, v24;
	v35 =	vsub.f32 v26, v35;
	v28 =	vadd.f32 v47, v28  }
0xe4: {  	v30 =	vmul.f32 v30, v10;
	v34 =	vadd.f32 v36, v54;
	v43 =	vadd.f32 v60, v61  }
0xe5: {  	vm2 =	vmmov vm2;
	v31 =	vsub.f32 v23, v31;
	v62 =	vadd.f32 v41, v40  }
0xe6: {  	v63 =	vmul.f32 v32, v25;
	v54 =	vld [tilespmem:s30+$0x2400];
	v28 =	vadd.f32 v28, v51;
	v27 =	vadd.f32 v30, v27  }
0xe7: {  	v32 =	vmul.f32 v32, v11;
	v33 =	vadd.f32 v34, v33;
	v34 =	vadd.f32 v46, v45  }
0xe8: {  	vm3 =	veq.f32 v53, v53;
	v44 =	vadd.f32 v62, v63;
	v31 =	vadd.f32 v43, v31  }
0xe9: {  	v58 =	vld [tilespmem:s30+$0x2800];
	vm1 =	vmor vm1, vm3;
	v28 =	vadd.f32 v28, v5;
	v27 =	vadd.f32 v27, v32  }
0xea: {  	v59 =	vld [tilespmem:s30+$0x2C00];
	v33 =	vmul.f32 v33, v33;
	v34 =	vadd.f32 v34, v49;
	v35 =	vadd.f32 v44, v35  }
0xeb: {  	v62 =	vld [tilespmem:s30+$0x3000];
	v31 =	vmul.f32 v31, v31;
	vm3 =	veq.f32 v54, v54;
	v28 =	vmul.f32 v28, v28  }
0xec: {  	v60 =	vadd.f32 v27, v12;
	v27 =	vadd.f32 v57, v56;
	vm1 =	vmor vm1, vm3  }
0xed: {  	v34 =	vadd.f32 v34, v1;
	v31 =	vadd.f32 v31, v33;
	vm1 =	vmand vm1, vm0  }
0xee: {  	v52 =	vmul.f32 v35, v35;
	v41 =	vnsel vm1, $0x0, v54;
	v36 =	vnsel vm1, $0x0, v50  }
0xef: {  	v39 =	vnsel vm1, $0x0, v53;
	v32 =	vnsel vm1, $0x0, v58;
	v33 =	vnsel vm1, $0x0, v59  }
0xf0: {  	v37 =	vnsel vm1, $0x0, v62;
	v61 =	vmul.f32 v41, v18;
	v63 =	vmul.f32 v36, v15  }
0xf1: {  	v31 =	vadd.f32 v31, v52;
	v48 =	vmul.f32 v39, v16;
	v42 =	vmul.f32 v36, v19  }
0xf2: {  	v43 =	vmul.f32 v39, v21;
	v32 =	vsub.f32 v17, v32;
	v44 =	vmul.f32 v36, v22  }
0xf3: {  	v45 =	vmul.f32 v39, v24;
	v50 =	vmul.f32 v41, v20;
	v33 =	vsub.f32 v23, v33  }
0xf4: {  	v52 =	vmul.f32 v41, v25;
	v37 =	vsub.f32 v26, v37;
	v57 =	vmul.f32 v36, v6  }
0xf5: {  	v58 =	vmul.f32 v39, v7;
	v38 =	vadd.f32 v48, v63;
	v49 =	vadd.f32 v43, v42  }
0xf6: {  	v59 =	vmul.f32 v41, v2;
	v30 =	vmul.f32 v31, v55;
	v51 =	vadd.f32 v45, v44  }
0xf7: {  	v31 =	vmul.f32 v34, v34;
	v35 =	vadd.f32 v38, v61;
	v53 =	vadd.f32 v49, v50  }
0xf8: {  	v34 =	vmul.f32 v60, v60;
	v60 =	vadd.f32 v58, v57;
	v54 =	vadd.f32 v51, v52  }
0xf9: {  	v55 =	vmul.f32 v36, v4;
	v32 =	vadd.f32 v35, v32;
	v33 =	vadd.f32 v53, v33  }
0xfa: {  	v30 =	vadd.f32 v30, v56;
	v31 =	vadd.f32 v28, v31;
	v56 =	vmul.f32 v39, v3  }
0xfb: {  	v37 =	vadd.f32 v54, v37;
	v35 =	vld [tilespmem:s30+$0x3400];
	v32 =	vmul.f32 v32, v32;
	v33 =	vmul.f32 v33, v33  }
0xfc: {  	v28 =	vsel vm1, $0x3F800000, v0;
	v61 =	vmul.f32 v41, v8;
	s30 =	simm.s32 $0x20;
	v38 =	vadd.f32 v56, v55  }
0xfd: {  	v34 =	vadd.f32 v31, v34;
	v31 =	vld [tilespmem:s30+$0x1C00];
	v63 =	vmul.f32 v37, v37;
	v62 =	vadd.f32 v33, v32  }
0xfe: {  	v39 =	vmul.f32 v39, v10;
	v37 =	vadd.f32 v38, v59;
	v38 =	vmul.f32 v36, v9;
	v32 =	vld [tilespmem:s30+$0x2000]  }
0xff: {  	s31 =	simm.s32 $0xC0;
	v40 =	vadd.f32 v60, v61;
	v36 =	vmul.f32 v41, v11;
	v33 =	vld [tilespmem:s30+$0x2400];
	v41 =	vadd.f32 v62, v63  }
.LBB2_4:
0x100: {  	p0 =	sne.s32 s31, $0xFC0;
	v35 =	vnsel vm1, $0x0, v35;
	v37 =	vadd.f32 v37, v1;
	v38 =	vadd.f32 v39, v38  }
0x101: {  	v34 =	vnsel vm2, $0x0, v34;
	v39 =	vadd.f32 v40, v5;
	v35 =	vmul.f32 v41, v35  }
0x102: {  	v29 =	vadd.f32 v34, v29;
	v36 =	vadd.f32 v38, v36;
	v37 =	vmul.f32 v37, v37  }
0x103: {  	vm2 =	veq.f32 v31, v31;
	vm3 =	veq.f32 v32, v32;
	v30 =	vadd.f32 v35, v30  }
0x104: {  	v35 =	vmul.f32 v39, v39;
	v34 =	vld [tilespmem:s30+$0x2800];
	vm2 =	vmor vm2, vm3;
	vm3 =	veq.f32 v33, v33  }
0x105: {  	v27 =	vadd.f32 v28, v27;
	v36 =	vadd.f32 v36, v12;
	v38 =	vld [tilespmem:s30+$0x2C00];
	vm3 =	vmor vm2, vm3  }
0x106: {  	v35 =	vadd.f32 v35, v37;
	vm2 =	vmmov vm1;
	vm1 =	vmand vm3, vm0  }
0x107: {  	v41 =	vnsel vm1, $0x0, v33;
	v28 =	vsel vm1, $0x3F800000, v0;
	v33 =	vmul.f32 v36, v36  }
0x108: {  	v36 =	vnsel vm1, $0x0, v31;
	v39 =	vnsel vm1, $0x0, v32;
	v31 =	vmul.f32 v41, v18  }
0x109: {  	v37 =	vmul.f32 v36, v15;
	v40 =	vmul.f32 v39, v16;
	v32 =	vld [tilespmem:s30+$0x3000];
	v34 =	vnsel vm1, $0x0, v34  }
0x10a: {  	v42 =	vmul.f32 v36, v19;
	v43 =	vmul.f32 v39, v21;
	v38 =	vnsel vm1, $0x0, v38  }
0x10b: {  	v44 =	vmul.f32 v36, v22;
	v45 =	vmul.f32 v39, v24;
	v34 =	vsub.f32 v17, v34  }
0x10c: {  	v37 =	vadd.f32 v40, v37;
	v40 =	vadd.f32 v43, v42;
	v42 =	vmul.f32 v41, v20  }
0x10d: {  	v43 =	vadd.f32 v45, v44;
	v44 =	vmul.f32 v41, v25;
	v38 =	vsub.f32 v23, v38  }
0x10e: {  	v31 =	vadd.f32 v37, v31;
	v37 =	vadd.f32 v40, v42;
	v32 =	vnsel vm1, $0x0, v32  }
0x10f: {  	v40 =	vadd.f32 v43, v44;
	v42 =	vmul.f32 v36, v4;
	v32 =	vsub.f32 v26, v32  }
0x110: {  	v31 =	vadd.f32 v31, v34;
	v37 =	vadd.f32 v37, v38;
	v38 =	vmul.f32 v39, v3  }
0x111: {  	v43 =	vmul.f32 v36, v6;
	v44 =	vmul.f32 v39, v7;
	v34 =	vadd.f32 v35, v33  }
.Ltmp1:
0x112: {  	v33 =	vmul.f32 v31, v31;
	v37 =	vmul.f32 v37, v37;
	v32 =	vadd.f32 v40, v32;
	v35 =	vld [tilespmem:s30+$0x3400];
	(pc) =	sbr.rel @p0 .LBB2_4-.Ltmp1, $4  }
0x113: {  	v38 =	vadd.f32 v38, v42;
	v42 =	vadd.f32 v44, v43;
	v40 =	vmul.f32 v41, v2;
	s30 =	sshra.s32 s31, $0x2  }
0x114: {  	v43 =	vmul.f32 v41, v8;
	v44 =	vadd.f32 v37, v33;
	v45 =	vmul.f32 v32, v32;
	v31 =	vld [tilespmem:s30+$0x1C00]  }
0x115: {  	v39 =	vmul.f32 v39, v10;
	v37 =	vadd.f32 v38, v40;
	v38 =	vmul.f32 v36, v9;
	v32 =	vld [tilespmem:s30+$0x2000]  }
0x116: {  	s31 =	sadd.s32 $0x40, s31;
	v40 =	vadd.f32 v42, v43;
	v36 =	vmul.f32 v41, v11;
	v41 =	vadd.f32 v44, v45;
	v33 =	vld [tilespmem:s30+$0x2400]  }
0x117: {  	_ = 	snop  }
0x118: {  	v35 =	vnsel vm1, $0x0, v35;
	v37 =	vadd.f32 v37, v1  }
0x119: {  	v38 =	vadd.f32 v39, v38;
	v34 =	vnsel vm2, $0x0, v34;
	v55 =	vadd.f32 v40, v5  }
0x11a: {  	v35 =	vmul.f32 v41, v35;
	vm2 =	veq.f32 v31, v31;
	vm3 =	veq.f32 v32, v32  }
0x11b: {  	v56 =	vld [tilespmem:s30+$0x2800];
	v36 =	vadd.f32 v38, v36;
	vm2 =	vmor vm2, vm3;
	vm3 =	veq.f32 v33, v33  }
0x11c: {  	v57 =	vld [tilespmem:s30+$0x2C00];
	v37 =	vmul.f32 v37, v37;
	v39 =	vmul.f32 v55, v55;
	vm2 =	vmor vm2, vm3  }
0x11d: {  	v62 =	vld [tilespmem:s30+$0x3000];
	v30 =	vadd.f32 v35, v30;
	vm2 =	vmand vm2, vm0  }
0x11e: {  	v58 =	vadd.f32 v36, v12;
	v35 =	vadd.f32 v39, v37;
	v59 =	vnsel vm2, $0x0, v33  }
0x11f: {  	v60 =	vnsel vm2, $0x0, v31;
	v61 =	vnsel vm2, $0x0, v32;
	v18 =	vmul.f32 v59, v18  }
0x120: {  	v63 =	vnsel vm2, $0x0, v56;
	v15 =	vmul.f32 v60, v15;
	v16 =	vmul.f32 v61, v16  }
0x121: {  	v40 =	vnsel vm2, $0x0, v57;
	v19 =	vmul.f32 v60, v19;
	v21 =	vmul.f32 v61, v21  }
0x122: {  	v46 =	vnsel vm2, $0x0, v62;
	v22 =	vmul.f32 v60, v22;
	v24 =	vmul.f32 v61, v24  }
0x123: {  	v17 =	vsub.f32 v17, v63;
	v42 =	vmul.f32 v59, v20;
	v4 =	vmul.f32 v60, v4  }
0x124: {  	v43 =	vsub.f32 v23, v40;
	v3 =	vmul.f32 v61, v3;
	v6 =	vmul.f32 v60, v6  }
0x125: {  	v48 =	vsub.f32 v26, v46;
	v7 =	vmul.f32 v61, v7;
	v50 =	vmul.f32 v60, v9  }
0x126: {  	v51 =	vmul.f32 v61, v10;
	v15 =	vadd.f32 v16, v15;
	v41 =	vadd.f32 v21, v19  }
0x127: {  	v45 =	vmul.f32 v59, v25;
	v44 =	vadd.f32 v24, v22;
	v3 =	vadd.f32 v3, v4  }
0x128: {  	v2 =	vmul.f32 v59, v2;
	v6 =	vadd.f32 v7, v6;
	v54 =	vadd.f32 v51, v50  }
0x129: {  	v49 =	vmul.f32 v59, v8;
	v15 =	vadd.f32 v15, v18;
	v16 =	vadd.f32 v41, v42  }
0x12a: {  	v47 =	vadd.f32 v44, v45;
	v2 =	vadd.f32 v3, v2  }
0x12b: {  	v53 =	vmul.f32 v59, v11;
	v3 =	vadd.f32 v6, v49;
	v15 =	vadd.f32 v15, v17  }
0x12c: {  	v16 =	vadd.f32 v16, v43;
	v1 =	vadd.f32 v2, v1  }
0x12d: {  	v58 =	vmul.f32 v58, v58;
	v2 =	vadd.f32 v3, v5;
	v3 =	vadd.f32 v54, v53  }
0x12e: {  	v52 =	vadd.f32 v47, v48;
	v56 =	vmul.f32 v15, v15;
	v57 =	vmul.f32 v16, v16  }
0x12f: {  	v55 =	vld [tilespmem:s30+$0x3400];
	v1 =	vmul.f32 v1, v1;
	v2 =	vmul.f32 v2, v2;
	v3 =	vadd.f32 v3, v12  }
0x130: {  	vm1 =	vmmov vm1;
	v4 =	vadd.f32 v35, v58;
	v60 =	vmul.f32 v52, v52  }
0x131: {  	v59 =	vadd.f32 v57, v56;
	v1 =	vadd.f32 v2, v1;
	v2 =	vmul.f32 v3, v3  }
0x132: {  	v29 =	vadd.f32 v34, v29;
	[tilespmem:$0x4C00] =	vst v13;
	v62 =	vsel vm2, $0x3F800000, v0;
	v3 =	vadd.f32 v28, v27  }
0x133: {  	[tilespmem:$0x4C80] =	vst v14;
	v4 =	vnsel vm1, $0x0, v4;
	v5 =	vadd.f32 v59, v60;
	v1 =	vadd.f32 v1, v2  }
0x134: {  	[tilespmem:$0x4E80] =	vst v0;
	v61 =	vnsel vm2, $0x0, v55;
	vm1 =	vmmov vm2;
	v2 =	vadd.f32 v4, v29  }
0x135: {  	[tilespmem:$0x4F00] =	vst v0;
	v3 =	vadd.f32 v62, v3;
	v5 =	vmul.f32 v5, v61;
	v1 =	vnsel vm1, $0x0, v1  }
0x136: {  	[tilespmem:$0x4F80] =	vst v0;
	v1 =	vadd.f32 v1, v2  }
0x137: {  	s29 =	sadd.s32 $0x1, s29;
	[tilespmem:$0x4D80] =	vst v3;
	v63 =	vadd.f32 v5, v30  }
0x138: {  	p0 =	sne.s32 s29, s20;
	[tilespmem:$0x4E00] =	vst v1  }
.Ltmp2:
0x139: {  	[tilespmem:$0x4D00] =	vst v63;
	(pc) =	sbr.rel @p0 .LBB2_1-.Ltmp2, $4  }
0x13a: {  	[hbm4b:s19+s2] =	stream.linear.scatter [tilespmem:s26], [sflag:$0x2], $0x400, $0x38;
	[tilespmem:$0x5000] =	vst v63  }
0x13b: {  	_ =	swait.ge [sflag:s28], $0x400  }
0x13c: {  	[sflag:s28] =	ssyncset.done $0x0  }
0x13d: {  	[sflag:s28] =	ssyncadd.s32 $0xFFFFFC00  }
0x13e: {  	_ =	sfence.sel $0x180000  }
0x13f: {  	[bflag:$0x0] =	sbarrier.arrive $0xFFFF  }
0x140: {  	_ =	strace $0x90000047  }
0x141: {  	s0 =	stileid.u32;
	[bflag:$0x2] =	sbarrier.arrive $0xFFFF  }
0x142: {  	p0 =	sne.s32 s0, $0x0;
	s0 =	rddreg [dreg:$0x1]  }
0x143: {  	s0 =	sadd.s32 @!p0 $0x100000, s0  }
0x144: {  	[sflag:s0] =	ssyncadd.tile.s32 @!p0 $0x1;
	_ =	shalt  }
.Lfunc_end2:
_tile_overlayer_lowered:
.L_overlay_start_2:
0x145: {  	(tag) =	ssettag $0x2  }
0x146: {  	s0 =	rddreg [dreg:$0x0];
	s2 =	stileid.u32  }
0x147: {  	s1 =	rddreg [dreg:$0x1];
	p0 =	sne.s32 s2, $0x0  }
0x148: {  	s3 =	rddreg [dreg:$0x2];
	[bflag:$0x3] =	sbarrier.arrive $0xFFFF;
	s2 =	simm.s32 @!p0 $0x1C02  }
0x149: {  	[timem:s3], [sflag:s2] =	dma.local @!p0 [hbm:s0], s1  }
0x14a: {  	s0 =	simm.s32 @!p0 $0x2  }
0x14b: {  	_ =	swait.ge @!p0 [sflag:s0], s1  }
0x14c: {  	s1 =	ssub.s32 @!p0 $0x0, s1;
	[sflag:s0] =	ssyncset.done @!p0 $0x0  }
0x14d: {  	[sflag:s0] =	ssyncadd.s32 @!p0 s1  }
0x14e: {  	[bflag:$0x3] =	sbarrier.arrive $0xFFFF  }
0x14f: {  	_ =	shalt  }

</sc_bundles>
